<compile_context>
chip_gen: v7x
topology: tpu7x:2x2x1
jax: 0.10.2.dev20260603
libtpu: 0.0.44.dev20260713+nightly
codegen_flags: <defaults>
</compile_context>

<pallas_src>
import functools

import jax
import jax.numpy as jnp
from jax import lax
from jax.experimental import pallas as pl
from jax.experimental.pallas import tpu as pltpu
from jax.experimental.pallas import tpu_sc as plsc

_N = 4194304
_NC = 2
_NS = 16
_NW = _NC * _NS
_PER_W = _N // _NW
_CH = 8192
_NBUF = 4
_NCH = _PER_W // _CH
_NGRP = _NCH // _NBUF
_L = 16
_U = 8

_mesh = plsc.VectorSubcoreMesh(core_axis_name="c", subcore_axis_name="s")


@functools.partial(
    pl.kernel,
    mesh=_mesh,
    out_type=jax.ShapeDtypeStruct((_N,), jnp.float32),
    scratch_types=(
        [pltpu.VMEM((_L,), jnp.float32)] * 2
        + [pltpu.VMEM((_CH,), jnp.float32)] * (2 * _NBUF)
        + [pltpu.SemaphoreType.DMA] * (2 * _NBUF)
    ),
)
def _sc_affine(x_hbm, s_hbm, t_hbm, o_hbm, *scratch):
    sv, tv = scratch[0], scratch[1]
    in_bufs = scratch[2:2 + _NBUF]
    out_bufs = scratch[2 + _NBUF:2 + 2 * _NBUF]
    in_sems = scratch[2 + 2 * _NBUF:2 + 3 * _NBUF]
    out_sems = scratch[2 + 3 * _NBUF:2 + 4 * _NBUF]

    wid = lax.axis_index("s") * _NC + lax.axis_index("c")
    base = wid * _PER_W

    pltpu.sync_copy(s_hbm, sv)
    pltpu.sync_copy(t_hbm, tv)
    svec = sv[...]
    tvec = tv[...]

    for b in range(_NBUF - 1):
        pltpu.async_copy(
            x_hbm.at[pl.ds(base + b * _CH, _CH)], in_bufs[b], in_sems[b])

    def group(g, carry):
        for b in range(_NBUF):
            c = g * _NBUF + b
            cn = c + _NBUF - 1
            sn = (b + _NBUF - 1) % _NBUF

            @pl.when(cn < _NCH)
            def _():
                pltpu.async_copy(
                    x_hbm.at[pl.ds(base + cn * _CH, _CH)],
                    in_bufs[sn], in_sems[sn])

            pltpu.make_async_copy(
                x_hbm.at[pl.ds(base, _CH)], in_bufs[b], in_sems[b]).wait()

            @pl.when(g > 0)
            def _():
                pltpu.make_async_copy(
                    x_hbm.at[pl.ds(base, _CH)], out_bufs[b],
                    out_sems[b]).wait()

            def inner(i, acc):
                for u in range(_U):
                    off = (i * _U + u) * _L
                    out_bufs[b][pl.ds(off, _L)] = (
                        in_bufs[b][pl.ds(off, _L)] * svec + tvec)
                return acc

            lax.fori_loop(0, _CH // (_L * _U), inner, 0)

            pltpu.async_copy(
                out_bufs[b], o_hbm.at[pl.ds(base + c * _CH, _CH)],
                out_sems[b])
        return carry

    lax.fori_loop(0, _NGRP, group, 0)

    for b in range(_NBUF):
        pltpu.make_async_copy(
            x_hbm.at[pl.ds(base, _CH)], out_bufs[b], out_sems[b]).wait()


def kernel(x, head, scale, shift):
    del head
    s16 = jnp.broadcast_to(scale.astype(jnp.float32), (_L,))
    t16 = jnp.broadcast_to(shift.astype(jnp.float32), (_L,))
    return _sc_affine(x, s16, t16)

# --- scband reference (transcript-rebuilt; emitter-appended) ---
"""Pipeline reference for scband-scale-shift-block-89979564851572 (READ-ONLY COPY).

The authoritative reference and input builder live on the scoring server;
editing this copy changes nothing except your own understanding.
"""

import jax, jax.numpy as jnp
import numpy as np

N = 4194304

def setup_inputs(seed: int = 0) -> dict:
    key = jax.random.key(seed)
    k1, k2 = jax.random.split(key)
    x = jax.random.normal(k1, (N,), dtype=jnp.float32)
    head = jax.random.randint(k2, (N,), 0, 1, dtype=jnp.int64)
    scale = jnp.asarray(1.2084, dtype=jnp.float32)
    shift = jnp.asarray(-0.3157, dtype=jnp.float32)
    return {"x": x, "head": head, "scale": scale, "shift": shift}

def reference(x, head, scale, shift):
    # torch.atleast_1d(self.scale)[head] * x + torch.atleast_1d(self.shift)[head]
    scale1 = jnp.atleast_1d(scale)
    shift1 = jnp.atleast_1d(shift)
    return jnp.take(scale1, head, axis=0) * x + jnp.take(shift1, head, axis=0)

if __name__ == "__main__":
    import jax
    _d = setup_inputs()
    print(jax.jit(kernel)(*tuple(_d.values())))

</pallas_src>

<mosaic_0001>
#map = affine_map<(d0, d1) -> (0)>
module attributes {stable_mosaic.version = 14 : i64} {
  func.func @_sc_affine(%arg0: i32, %arg1: i32, %arg2: memref<4194304xf32, #tpu.memory_space<hbm>>, %arg3: memref<16xf32, #tpu.memory_space<hbm>>, %arg4: memref<16xf32, #tpu.memory_space<hbm>>, %arg5: memref<4194304xf32, #tpu.memory_space<hbm>>, %arg6: memref<16xf32, #tpu.memory_space<vmem>>, %arg7: memref<16xf32, #tpu.memory_space<vmem>>, %arg8: memref<8192xf32, #tpu.memory_space<vmem>>, %arg9: memref<8192xf32, #tpu.memory_space<vmem>>, %arg10: memref<8192xf32, #tpu.memory_space<vmem>>, %arg11: memref<8192xf32, #tpu.memory_space<vmem>>, %arg12: memref<8192xf32, #tpu.memory_space<vmem>>, %arg13: memref<8192xf32, #tpu.memory_space<vmem>>, %arg14: memref<8192xf32, #tpu.memory_space<vmem>>, %arg15: memref<8192xf32, #tpu.memory_space<vmem>>, %arg16: memref<!tpu.dma_semaphore, #tpu.memory_space<semaphore_mem>>, %arg17: memref<!tpu.dma_semaphore, #tpu.memory_space<semaphore_mem>>, %arg18: memref<!tpu.dma_semaphore, #tpu.memory_space<semaphore_mem>>, %arg19: memref<!tpu.dma_semaphore, #tpu.memory_space<semaphore_mem>>, %arg20: memref<!tpu.dma_semaphore, #tpu.memory_space<semaphore_mem>>, %arg21: memref<!tpu.dma_semaphore, #tpu.memory_space<semaphore_mem>>, %arg22: memref<!tpu.dma_semaphore, #tpu.memory_space<semaphore_mem>>, %arg23: memref<!tpu.dma_semaphore, #tpu.memory_space<semaphore_mem>>) attributes {dimension_semantics = [#tpu.dimension_semantics<core_parallel>, #tpu.dimension_semantics<subcore_parallel>], iteration_bounds = array<i64: 2, 16>, scalar_prefetch = 0 : i64, scratch_operands = 18 : i64, tpu.core_type = #tpu.core_type<sc_vector_subcore>, window_params = [{transform_indices = #map}, {transform_indices = #map}, {transform_indices = #map}, {transform_indices = #map}]} {
    %mul3A = arith.constant 2 : i32
    %mul3A_0 = arith.muli %arg1, %mul3A : i32
    %add3A = arith.addi %mul3A_0, %arg0 : i32
    %mul3A_1 = arith.constant 131072 : i32
    %mul3A_2 = arith.muli %add3A, %mul3A_1 : i32
    "tpu.region"() ({
      %run_scoped3A = tpu.sem_alloc : memref<!tpu.dma_semaphore, #tpu.memory_space<semaphore_mem>>
      tpu.enqueue_dma source(%arg3 : memref<16xf32, #tpu.memory_space<hbm>>) target(%arg6 : memref<16xf32, #tpu.memory_space<vmem>>) target_semaphore(%run_scoped3A : memref<!tpu.dma_semaphore, #tpu.memory_space<semaphore_mem>>)
      tpu.wait_dma2 semaphore(%run_scoped3A : memref<!tpu.dma_semaphore, #tpu.memory_space<semaphore_mem>>) src(%arg3 : memref<16xf32, #tpu.memory_space<hbm>>) dst(%arg6 : memref<16xf32, #tpu.memory_space<vmem>>)
      tpu.yield
    }) : () -> ()
    "tpu.region"() ({
      %run_scoped3A = tpu.sem_alloc : memref<!tpu.dma_semaphore, #tpu.memory_space<semaphore_mem>>
      tpu.enqueue_dma source(%arg4 : memref<16xf32, #tpu.memory_space<hbm>>) target(%arg7 : memref<16xf32, #tpu.memory_space<vmem>>) target_semaphore(%run_scoped3A : memref<!tpu.dma_semaphore, #tpu.memory_space<semaphore_mem>>)
      tpu.wait_dma2 semaphore(%run_scoped3A : memref<!tpu.dma_semaphore, #tpu.memory_space<semaphore_mem>>) src(%arg4 : memref<16xf32, #tpu.memory_space<hbm>>) dst(%arg7 : memref<16xf32, #tpu.memory_space<vmem>>)
      tpu.yield
    }) : () -> ()
    %get3A = arith.constant 0 : index
    %get3A_3 = tpu.vector_load %arg6[%get3A] {strides = array<i32>} : memref<16xf32, #tpu.memory_space<vmem>>, vector<16xf32>,
    %get3A_4 = vector.shape_cast %get3A_3 : vector<16xf32> to vector<16xf32>
    %get3A_5 = arith.constant 0 : index
    %get3A_6 = tpu.vector_load %arg7[%get3A_5] {strides = array<i32>} : memref<16xf32, #tpu.memory_space<vmem>>, vector<16xf32>,
    %get3A_7 = vector.shape_cast %get3A_6 : vector<16xf32> to vector<16xf32>
    %add3A_8 = arith.constant 0 : i32
    %add3A_9 = arith.addi %mul3A_2, %add3A_8 : i32
    %dma_start3A = tpu.memref_slice %arg2[%add3A_9] : memref<4194304xf32, #tpu.memory_space<hbm>> -> memref<8192xf32, #tpu.memory_space<hbm>>
    %dma_start3A_10 = tpu.memref_slice %arg2[%add3A_9] : memref<4194304xf32, #tpu.memory_space<hbm>> -> memref<8192xf32, #tpu.memory_space<hbm>>
    tpu.enqueue_dma source(%dma_start3A_10 : memref<8192xf32, #tpu.memory_space<hbm>>) target(%arg8 : memref<8192xf32, #tpu.memory_space<vmem>>) target_semaphore(%arg16 : memref<!tpu.dma_semaphore, #tpu.memory_space<semaphore_mem>>)
    %add3A_11 = arith.constant 8192 : i32
    %add3A_12 = arith.addi %mul3A_2, %add3A_11 : i32
    %dma_start3A_13 = tpu.memref_slice %arg2[%add3A_12] : memref<4194304xf32, #tpu.memory_space<hbm>> -> memref<8192xf32, #tpu.memory_space<hbm>>
    %dma_start3A_14 = tpu.memref_slice %arg2[%add3A_12] : memref<4194304xf32, #tpu.memory_space<hbm>> -> memref<8192xf32, #tpu.memory_space<hbm>>
    tpu.enqueue_dma source(%dma_start3A_14 : memref<8192xf32, #tpu.memory_space<hbm>>) target(%arg9 : memref<8192xf32, #tpu.memory_space<vmem>>) target_semaphore(%arg17 : memref<!tpu.dma_semaphore, #tpu.memory_space<semaphore_mem>>)
    %add3A_15 = arith.constant 16384 : i32
    %add3A_16 = arith.addi %mul3A_2, %add3A_15 : i32
    %dma_start3A_17 = tpu.memref_slice %arg2[%add3A_16] : memref<4194304xf32, #tpu.memory_space<hbm>> -> memref<8192xf32, #tpu.memory_space<hbm>>
    %dma_start3A_18 = tpu.memref_slice %arg2[%add3A_16] : memref<4194304xf32, #tpu.memory_space<hbm>> -> memref<8192xf32, #tpu.memory_space<hbm>>
    tpu.enqueue_dma source(%dma_start3A_18 : memref<8192xf32, #tpu.memory_space<hbm>>) target(%arg10 : memref<8192xf32, #tpu.memory_space<vmem>>) target_semaphore(%arg18 : memref<!tpu.dma_semaphore, #tpu.memory_space<semaphore_mem>>)
    %scan3A = arith.constant 0 : i32
    %scan3A_19 = arith.constant 0 : i32
    %scan3A_20 = arith.constant 4 : i32
    %scan3A_21 = arith.addi %scan3A_19, %scan3A_20 : i32
    %scan3A_22 = arith.constant 1 : i32
    scf.for %scan3A_31 = %scan3A_19 to %scan3A_21 step %scan3A_22  : i32 {
      %mul3A_32 = arith.constant 4 : i32
      %mul3A_33 = arith.muli %scan3A_31, %mul3A_32 : i32
      %add3A_34 = arith.constant 0 : i32
      %add3A_35 = arith.addi %mul3A_33, %add3A_34 : i32
      %add3A_36 = arith.constant 4 : i32
      %add3A_37 = arith.addi %add3A_35, %add3A_36 : i32
      %sub3A = arith.constant 1 : i32
      %sub3A_38 = arith.subi %add3A_37, %sub3A : i32
      %lt3A = arith.constant 16 : i32
      %lt3A_39 = arith.cmpi slt, %sub3A_38, %lt3A : i32
      %convert_element_type3A = arith.extui %lt3A_39 : i1 to i32
      %cond3A = arith.constant 0 : i32
      %cond3A_40 = arith.cmpi ne, %convert_element_type3A, %cond3A : i32
      scf.if %cond3A_40 {
        %mul3A_151 = arith.constant 8192 : i32
        %mul3A_152 = arith.muli %sub3A_38, %mul3A_151 : i32
        %add3A_153 = arith.addi %mul3A_2, %mul3A_152 : i32
        %dma_start3A_154 = tpu.memref_slice %arg2[%add3A_153] : memref<4194304xf32, #tpu.memory_space<hbm>> -> memref<8192xf32, #tpu.memory_space<hbm>>
        %dma_start3A_155 = tpu.memref_slice %arg2[%add3A_153] : memref<4194304xf32, #tpu.memory_space<hbm>> -> memref<8192xf32, #tpu.memory_space<hbm>>
        tpu.enqueue_dma source(%dma_start3A_155 : memref<8192xf32, #tpu.memory_space<hbm>>) target(%arg11 : memref<8192xf32, #tpu.memory_space<vmem>>) target_semaphore(%arg19 : memref<!tpu.dma_semaphore, #tpu.memory_space<semaphore_mem>>)
      } else {
      }
      %dma_wait3A_41 = tpu.memref_slice %arg2[%mul3A_2] : memref<4194304xf32, #tpu.memory_space<hbm>> -> memref<8192xf32, #tpu.memory_space<hbm>>
      %dma_wait3A_42 = tpu.memref_slice %arg2[%mul3A_2] : memref<4194304xf32, #tpu.memory_space<hbm>> -> memref<8192xf32, #tpu.memory_space<hbm>>
      tpu.wait_dma2 semaphore(%arg16 : memref<!tpu.dma_semaphore, #tpu.memory_space<semaphore_mem>>) src(%dma_wait3A_42 : memref<8192xf32, #tpu.memory_space<hbm>>) dst(%arg8 : memref<8192xf32, #tpu.memory_space<vmem>>)
      %gt3A = arith.constant 0 : i32
      %gt3A_43 = arith.cmpi sgt, %scan3A_31, %gt3A : i32
      %convert_element_type3A_44 = arith.extui %gt3A_43 : i1 to i32
      %cond3A_45 = arith.constant 0 : i32
      %cond3A_46 = arith.cmpi ne, %convert_element_type3A_44, %cond3A_45 : i32
      scf.if %cond3A_46 {
        %dma_wait3A_151 = tpu.memref_slice %arg2[%mul3A_2] : memref<4194304xf32, #tpu.memory_space<hbm>> -> memref<8192xf32, #tpu.memory_space<hbm>>
        %dma_wait3A_152 = tpu.memref_slice %arg2[%mul3A_2] : memref<4194304xf32, #tpu.memory_space<hbm>> -> memref<8192xf32, #tpu.memory_space<hbm>>
        tpu.wait_dma2 semaphore(%arg20 : memref<!tpu.dma_semaphore, #tpu.memory_space<semaphore_mem>>) src(%dma_wait3A_152 : memref<8192xf32, #tpu.memory_space<hbm>>) dst(%arg12 : memref<8192xf32, #tpu.memory_space<vmem>>)
      } else {
      }
      %scan3A_47 = arith.constant 0 : i32
      %scan3A_48 = arith.constant 0 : i32
      %scan3A_49 = arith.constant 64 : i32
      %scan3A_50 = arith.addi %scan3A_48, %scan3A_49 : i32
      %scan3A_51 = arith.constant 1 : i32
      scf.for %scan3A_151 = %scan3A_48 to %scan3A_50 step %scan3A_51  : i32 {
        %mul3A_152 = arith.constant 8 : i32
        %mul3A_153 = arith.muli %scan3A_151, %mul3A_152 : i32
        %add3A_154 = arith.constant 0 : i32
        %add3A_155 = arith.addi %mul3A_153, %add3A_154 : i32
        %mul3A_156 = arith.constant 16 : i32
        %mul3A_157 = arith.muli %add3A_155, %mul3A_156 : i32
        %get3A_158 = arith.index_cast %mul3A_157 : i32 to index
        %get3A_159 = tpu.vector_load %arg8[%get3A_158] {strides = array<i32>} : memref<8192xf32, #tpu.memory_space<vmem>>, vector<16xf32>,
        %get3A_160 = vector.shape_cast %get3A_159 : vector<16xf32> to vector<16xf32>
        %mul3A_161 = arith.mulf %get3A_160, %get3A_4 : vector<16xf32>
        %add3A_162 = arith.addf %mul3A_161, %get3A_7 : vector<16xf32>
        %swap3A = arith.index_cast %mul3A_157 : i32 to index
        %swap3A_163 = tpu.vector_load %arg12[%swap3A] {strides = array<i32>} : memref<8192xf32, #tpu.memory_space<vmem>>, vector<16xf32>,
        %swap3A_164 = vector.shape_cast %swap3A_163 : vector<16xf32> to vector<16xf32>
        %swap3A_165 = vector.shape_cast %add3A_162 : vector<16xf32> to vector<16xf32>
        tpu.vector_store %arg12[%swap3A], %swap3A_165 {strides = array<i32>} : memref<8192xf32, #tpu.memory_space<vmem>>, vector<16xf32>,
        %mul3A_166 = arith.constant 8 : i32
        %mul3A_167 = arith.muli %scan3A_151, %mul3A_166 : i32
        %add3A_168 = arith.constant 1 : i32
        %add3A_169 = arith.addi %mul3A_167, %add3A_168 : i32
        %mul3A_170 = arith.constant 16 : i32
        %mul3A_171 = arith.muli %add3A_169, %mul3A_170 : i32
        %get3A_172 = arith.index_cast %mul3A_171 : i32 to index
        %get3A_173 = tpu.vector_load %arg8[%get3A_172] {strides = array<i32>} : memref<8192xf32, #tpu.memory_space<vmem>>, vector<16xf32>,
        %get3A_174 = vector.shape_cast %get3A_173 : vector<16xf32> to vector<16xf32>
        %mul3A_175 = arith.mulf %get3A_174, %get3A_4 : vector<16xf32>
        %add3A_176 = arith.addf %mul3A_175, %get3A_7 : vector<16xf32>
        %swap3A_177 = arith.index_cast %mul3A_171 : i32 to index
        %swap3A_178 = tpu.vector_load %arg12[%swap3A_177] {strides = array<i32>} : memref<8192xf32, #tpu.memory_space<vmem>>, vector<16xf32>,
        %swap3A_179 = vector.shape_cast %swap3A_178 : vector<16xf32> to vector<16xf32>
        %swap3A_180 = vector.shape_cast %add3A_176 : vector<16xf32> to vector<16xf32>
        tpu.vector_store %arg12[%swap3A_177], %swap3A_180 {strides = array<i32>} : memref<8192xf32, #tpu.memory_space<vmem>>, vector<16xf32>,
        %mul3A_181 = arith.constant 8 : i32
        %mul3A_182 = arith.muli %scan3A_151, %mul3A_181 : i32
        %add3A_183 = arith.constant 2 : i32
        %add3A_184 = arith.addi %mul3A_182, %add3A_183 : i32
        %mul3A_185 = arith.constant 16 : i32
        %mul3A_186 = arith.muli %add3A_184, %mul3A_185 : i32
        %get3A_187 = arith.index_cast %mul3A_186 : i32 to index
        %get3A_188 = tpu.vector_load %arg8[%get3A_187] {strides = array<i32>} : memref<8192xf32, #tpu.memory_space<vmem>>, vector<16xf32>,
        %get3A_189 = vector.shape_cast %get3A_188 : vector<16xf32> to vector<16xf32>
        %mul3A_190 = arith.mulf %get3A_189, %get3A_4 : vector<16xf32>
        %add3A_191 = arith.addf %mul3A_190, %get3A_7 : vector<16xf32>
        %swap3A_192 = arith.index_cast %mul3A_186 : i32 to index
        %swap3A_193 = tpu.vector_load %arg12[%swap3A_192] {strides = array<i32>} : memref<8192xf32, #tpu.memory_space<vmem>>, vector<16xf32>,
        %swap3A_194 = vector.shape_cast %swap3A_193 : vector<16xf32> to vector<16xf32>
        %swap3A_195 = vector.shape_cast %add3A_191 : vector<16xf32> to vector<16xf32>
        tpu.vector_store %arg12[%swap3A_192], %swap3A_195 {strides = array<i32>} : memref<8192xf32, #tpu.memory_space<vmem>>, vector<16xf32>,
        %mul3A_196 = arith.constant 8 : i32
        %mul3A_197 = arith.muli %scan3A_151, %mul3A_196 : i32
        %add3A_198 = arith.constant 3 : i32
        %add3A_199 = arith.addi %mul3A_197, %add3A_198 : i32
        %mul3A_200 = arith.constant 16 : i32
        %mul3A_201 = arith.muli %add3A_199, %mul3A_200 : i32
        %get3A_202 = arith.index_cast %mul3A_201 : i32 to index
        %get3A_203 = tpu.vector_load %arg8[%get3A_202] {strides = array<i32>} : memref<8192xf32, #tpu.memory_space<vmem>>, vector<16xf32>,
        %get3A_204 = vector.shape_cast %get3A_203 : vector<16xf32> to vector<16xf32>
        %mul3A_205 = arith.mulf %get3A_204, %get3A_4 : vector<16xf32>
        %add3A_206 = arith.addf %mul3A_205, %get3A_7 : vector<16xf32>
        %swap3A_207 = arith.index_cast %mul3A_201 : i32 to index
        %swap3A_208 = tpu.vector_load %arg12[%swap3A_207] {strides = array<i32>} : memref<8192xf32, #tpu.memory_space<vmem>>, vector<16xf32>,
        %swap3A_209 = vector.shape_cast %swap3A_208 : vector<16xf32> to vector<16xf32>
        %swap3A_210 = vector.shape_cast %add3A_206 : vector<16xf32> to vector<16xf32>
        tpu.vector_store %arg12[%swap3A_207], %swap3A_210 {strides = array<i32>} : memref<8192xf32, #tpu.memory_space<vmem>>, vector<16xf32>,
        %mul3A_211 = arith.constant 8 : i32
        %mul3A_212 = arith.muli %scan3A_151, %mul3A_211 : i32
        %add3A_213 = arith.constant 4 : i32
        %add3A_214 = arith.addi %mul3A_212, %add3A_213 : i32
        %mul3A_215 = arith.constant 16 : i32
        %mul3A_216 = arith.muli %add3A_214, %mul3A_215 : i32
        %get3A_217 = arith.index_cast %mul3A_216 : i32 to index
        %get3A_218 = tpu.vector_load %arg8[%get3A_217] {strides = array<i32>} : memref<8192xf32, #tpu.memory_space<vmem>>, vector<16xf32>,
        %get3A_219 = vector.shape_cast %get3A_218 : vector<16xf32> to vector<16xf32>
        %mul3A_220 = arith.mulf %get3A_219, %get3A_4 : vector<16xf32>
        %add3A_221 = arith.addf %mul3A_220, %get3A_7 : vector<16xf32>
        %swap3A_222 = arith.index_cast %mul3A_216 : i32 to index
        %swap3A_223 = tpu.vector_load %arg12[%swap3A_222] {strides = array<i32>} : memref<8192xf32, #tpu.memory_space<vmem>>, vector<16xf32>,
        %swap3A_224 = vector.shape_cast %swap3A_223 : vector<16xf32> to vector<16xf32>
        %swap3A_225 = vector.shape_cast %add3A_221 : vector<16xf32> to vector<16xf32>
        tpu.vector_store %arg12[%swap3A_222], %swap3A_225 {strides = array<i32>} : memref<8192xf32, #tpu.memory_space<vmem>>, vector<16xf32>,
        %mul3A_226 = arith.constant 8 : i32
        %mul3A_227 = arith.muli %scan3A_151, %mul3A_226 : i32
        %add3A_228 = arith.constant 5 : i32
        %add3A_229 = arith.addi %mul3A_227, %add3A_228 : i32
        %mul3A_230 = arith.constant 16 : i32
        %mul3A_231 = arith.muli %add3A_229, %mul3A_230 : i32
        %get3A_232 = arith.index_cast %mul3A_231 : i32 to index
        %get3A_233 = tpu.vector_load %arg8[%get3A_232] {strides = array<i32>} : memref<8192xf32, #tpu.memory_space<vmem>>, vector<16xf32>,
        %get3A_234 = vector.shape_cast %get3A_233 : vector<16xf32> to vector<16xf32>
        %mul3A_235 = arith.mulf %get3A_234, %get3A_4 : vector<16xf32>
        %add3A_236 = arith.addf %mul3A_235, %get3A_7 : vector<16xf32>
        %swap3A_237 = arith.index_cast %mul3A_231 : i32 to index
        %swap3A_238 = tpu.vector_load %arg12[%swap3A_237] {strides = array<i32>} : memref<8192xf32, #tpu.memory_space<vmem>>, vector<16xf32>,
        %swap3A_239 = vector.shape_cast %swap3A_238 : vector<16xf32> to vector<16xf32>
        %swap3A_240 = vector.shape_cast %add3A_236 : vector<16xf32> to vector<16xf32>
        tpu.vector_store %arg12[%swap3A_237], %swap3A_240 {strides = array<i32>} : memref<8192xf32, #tpu.memory_space<vmem>>, vector<16xf32>,
        %mul3A_241 = arith.constant 8 : i32
        %mul3A_242 = arith.muli %scan3A_151, %mul3A_241 : i32
        %add3A_243 = arith.constant 6 : i32
        %add3A_244 = arith.addi %mul3A_242, %add3A_243 : i32
        %mul3A_245 = arith.constant 16 : i32
        %mul3A_246 = arith.muli %add3A_244, %mul3A_245 : i32
        %get3A_247 = arith.index_cast %mul3A_246 : i32 to index
        %get3A_248 = tpu.vector_load %arg8[%get3A_247] {strides = array<i32>} : memref<8192xf32, #tpu.memory_space<vmem>>, vector<16xf32>,
        %get3A_249 = vector.shape_cast %get3A_248 : vector<16xf32> to vector<16xf32>
        %mul3A_250 = arith.mulf %get3A_249, %get3A_4 : vector<16xf32>
        %add3A_251 = arith.addf %mul3A_250, %get3A_7 : vector<16xf32>
        %swap3A_252 = arith.index_cast %mul3A_246 : i32 to index
        %swap3A_253 = tpu.vector_load %arg12[%swap3A_252] {strides = array<i32>} : memref<8192xf32, #tpu.memory_space<vmem>>, vector<16xf32>,
        %swap3A_254 = vector.shape_cast %swap3A_253 : vector<16xf32> to vector<16xf32>
        %swap3A_255 = vector.shape_cast %add3A_251 : vector<16xf32> to vector<16xf32>
        tpu.vector_store %arg12[%swap3A_252], %swap3A_255 {strides = array<i32>} : memref<8192xf32, #tpu.memory_space<vmem>>, vector<16xf32>,
        %mul3A_256 = arith.constant 8 : i32
        %mul3A_257 = arith.muli %scan3A_151, %mul3A_256 : i32
        %add3A_258 = arith.constant 7 : i32
        %add3A_259 = arith.addi %mul3A_257, %add3A_258 : i32
        %mul3A_260 = arith.constant 16 : i32
        %mul3A_261 = arith.muli %add3A_259, %mul3A_260 : i32
        %get3A_262 = arith.index_cast %mul3A_261 : i32 to index
        %get3A_263 = tpu.vector_load %arg8[%get3A_262] {strides = array<i32>} : memref<8192xf32, #tpu.memory_space<vmem>>, vector<16xf32>,
        %get3A_264 = vector.shape_cast %get3A_263 : vector<16xf32> to vector<16xf32>
        %mul3A_265 = arith.mulf %get3A_264, %get3A_4 : vector<16xf32>
        %add3A_266 = arith.addf %mul3A_265, %get3A_7 : vector<16xf32>
        %swap3A_267 = arith.index_cast %mul3A_261 : i32 to index
        %swap3A_268 = tpu.vector_load %arg12[%swap3A_267] {strides = array<i32>} : memref<8192xf32, #tpu.memory_space<vmem>>, vector<16xf32>,
        %swap3A_269 = vector.shape_cast %swap3A_268 : vector<16xf32> to vector<16xf32>
        %swap3A_270 = vector.shape_cast %add3A_266 : vector<16xf32> to vector<16xf32>
        tpu.vector_store %arg12[%swap3A_267], %swap3A_270 {strides = array<i32>} : memref<8192xf32, #tpu.memory_space<vmem>>, vector<16xf32>,
      }
      %scan3A_52 = arith.constant 64 : i32
      %mul3A_53 = arith.constant 8192 : i32
      %mul3A_54 = arith.muli %add3A_35, %mul3A_53 : i32
      %add3A_55 = arith.addi %mul3A_2, %mul3A_54 : i32
      %dma_start3A_56 = tpu.memref_slice %arg5[%add3A_55] : memref<4194304xf32, #tpu.memory_space<hbm>> -> memref<8192xf32, #tpu.memory_space<hbm>>
      %dma_start3A_57 = tpu.memref_slice %arg5[%add3A_55] : memref<4194304xf32, #tpu.memory_space<hbm>> -> memref<8192xf32, #tpu.memory_space<hbm>>
      tpu.enqueue_dma source(%arg12 : memref<8192xf32, #tpu.memory_space<vmem>>) target(%dma_start3A_57 : memref<8192xf32, #tpu.memory_space<hbm>>) target_semaphore(%arg20 : memref<!tpu.dma_semaphore, #tpu.memory_space<semaphore_mem>>)
      %mul3A_58 = arith.constant 4 : i32
      %mul3A_59 = arith.muli %scan3A_31, %mul3A_58 : i32
      %add3A_60 = arith.constant 1 : i32
      %add3A_61 = arith.addi %mul3A_59, %add3A_60 : i32
      %add3A_62 = arith.constant 4 : i32
      %add3A_63 = arith.addi %add3A_61, %add3A_62 : i32
      %sub3A_64 = arith.constant 1 : i32
      %sub3A_65 = arith.subi %add3A_63, %sub3A_64 : i32
      %lt3A_66 = arith.constant 16 : i32
      %lt3A_67 = arith.cmpi slt, %sub3A_65, %lt3A_66 : i32
      %convert_element_type3A_68 = arith.extui %lt3A_67 : i1 to i32
      %cond3A_69 = arith.constant 0 : i32
      %cond3A_70 = arith.cmpi ne, %convert_element_type3A_68, %cond3A_69 : i32
      scf.if %cond3A_70 {
        %mul3A_151 = arith.constant 8192 : i32
        %mul3A_152 = arith.muli %sub3A_65, %mul3A_151 : i32
        %add3A_153 = arith.addi %mul3A_2, %mul3A_152 : i32
        %dma_start3A_154 = tpu.memref_slice %arg2[%add3A_153] : memref<4194304xf32, #tpu.memory_space<hbm>> -> memref<8192xf32, #tpu.memory_space<hbm>>
        %dma_start3A_155 = tpu.memref_slice %arg2[%add3A_153] : memref<4194304xf32, #tpu.memory_space<hbm>> -> memref<8192xf32, #tpu.memory_space<hbm>>
        tpu.enqueue_dma source(%dma_start3A_155 : memref<8192xf32, #tpu.memory_space<hbm>>) target(%arg8 : memref<8192xf32, #tpu.memory_space<vmem>>) target_semaphore(%arg16 : memref<!tpu.dma_semaphore, #tpu.memory_space<semaphore_mem>>)
      } else {
      }
      %dma_wait3A_71 = tpu.memref_slice %arg2[%mul3A_2] : memref<4194304xf32, #tpu.memory_space<hbm>> -> memref<8192xf32, #tpu.memory_space<hbm>>
      %dma_wait3A_72 = tpu.memref_slice %arg2[%mul3A_2] : memref<4194304xf32, #tpu.memory_space<hbm>> -> memref<8192xf32, #tpu.memory_space<hbm>>
      tpu.wait_dma2 semaphore(%arg17 : memref<!tpu.dma_semaphore, #tpu.memory_space<semaphore_mem>>) src(%dma_wait3A_72 : memref<8192xf32, #tpu.memory_space<hbm>>) dst(%arg9 : memref<8192xf32, #tpu.memory_space<vmem>>)
      %gt3A_73 = arith.constant 0 : i32
      %gt3A_74 = arith.cmpi sgt, %scan3A_31, %gt3A_73 : i32
      %convert_element_type3A_75 = arith.extui %gt3A_74 : i1 to i32
      %cond3A_76 = arith.constant 0 : i32
      %cond3A_77 = arith.cmpi ne, %convert_element_type3A_75, %cond3A_76 : i32
      scf.if %cond3A_77 {
        %dma_wait3A_151 = tpu.memref_slice %arg2[%mul3A_2] : memref<4194304xf32, #tpu.memory_space<hbm>> -> memref<8192xf32, #tpu.memory_space<hbm>>
        %dma_wait3A_152 = tpu.memref_slice %arg2[%mul3A_2] : memref<4194304xf32, #tpu.memory_space<hbm>> -> memref<8192xf32, #tpu.memory_space<hbm>>
        tpu.wait_dma2 semaphore(%arg21 : memref<!tpu.dma_semaphore, #tpu.memory_space<semaphore_mem>>) src(%dma_wait3A_152 : memref<8192xf32, #tpu.memory_space<hbm>>) dst(%arg13 : memref<8192xf32, #tpu.memory_space<vmem>>)
      } else {
      }
      %scan3A_78 = arith.constant 0 : i32
      %scan3A_79 = arith.constant 0 : i32
      %scan3A_80 = arith.constant 64 : i32
      %scan3A_81 = arith.addi %scan3A_79, %scan3A_80 : i32
      %scan3A_82 = arith.constant 1 : i32
      scf.for %scan3A_151 = %scan3A_79 to %scan3A_81 step %scan3A_82  : i32 {
        %mul3A_152 = arith.constant 8 : i32
        %mul3A_153 = arith.muli %scan3A_151, %mul3A_152 : i32
        %add3A_154 = arith.constant 0 : i32
        %add3A_155 = arith.addi %mul3A_153, %add3A_154 : i32
        %mul3A_156 = arith.constant 16 : i32
        %mul3A_157 = arith.muli %add3A_155, %mul3A_156 : i32
        %get3A_158 = arith.index_cast %mul3A_157 : i32 to index
        %get3A_159 = tpu.vector_load %arg9[%get3A_158] {strides = array<i32>} : memref<8192xf32, #tpu.memory_space<vmem>>, vector<16xf32>,
        %get3A_160 = vector.shape_cast %get3A_159 : vector<16xf32> to vector<16xf32>
        %mul3A_161 = arith.mulf %get3A_160, %get3A_4 : vector<16xf32>
        %add3A_162 = arith.addf %mul3A_161, %get3A_7 : vector<16xf32>
        %swap3A = arith.index_cast %mul3A_157 : i32 to index
        %swap3A_163 = tpu.vector_load %arg13[%swap3A] {strides = array<i32>} : memref<8192xf32, #tpu.memory_space<vmem>>, vector<16xf32>,
        %swap3A_164 = vector.shape_cast %swap3A_163 : vector<16xf32> to vector<16xf32>
        %swap3A_165 = vector.shape_cast %add3A_162 : vector<16xf32> to vector<16xf32>
        tpu.vector_store %arg13[%swap3A], %swap3A_165 {strides = array<i32>} : memref<8192xf32, #tpu.memory_space<vmem>>, vector<16xf32>,
        %mul3A_166 = arith.constant 8 : i32
        %mul3A_167 = arith.muli %scan3A_151, %mul3A_166 : i32
        %add3A_168 = arith.constant 1 : i32
        %add3A_169 = arith.addi %mul3A_167, %add3A_168 : i32
        %mul3A_170 = arith.constant 16 : i32
        %mul3A_171 = arith.muli %add3A_169, %mul3A_170 : i32
        %get3A_172 = arith.index_cast %mul3A_171 : i32 to index
        %get3A_173 = tpu.vector_load %arg9[%get3A_172] {strides = array<i32>} : memref<8192xf32, #tpu.memory_space<vmem>>, vector<16xf32>,
        %get3A_174 = vector.shape_cast %get3A_173 : vector<16xf32> to vector<16xf32>
        %mul3A_175 = arith.mulf %get3A_174, %get3A_4 : vector<16xf32>
        %add3A_176 = arith.addf %mul3A_175, %get3A_7 : vector<16xf32>
        %swap3A_177 = arith.index_cast %mul3A_171 : i32 to index
        %swap3A_178 = tpu.vector_load %arg13[%swap3A_177] {strides = array<i32>} : memref<8192xf32, #tpu.memory_space<vmem>>, vector<16xf32>,
        %swap3A_179 = vector.shape_cast %swap3A_178 : vector<16xf32> to vector<16xf32>
        %swap3A_180 = vector.shape_cast %add3A_176 : vector<16xf32> to vector<16xf32>
        tpu.vector_store %arg13[%swap3A_177], %swap3A_180 {strides = array<i32>} : memref<8192xf32, #tpu.memory_space<vmem>>, vector<16xf32>,
        %mul3A_181 = arith.constant 8 : i32
        %mul3A_182 = arith.muli %scan3A_151, %mul3A_181 : i32
        %add3A_183 = arith.constant 2 : i32
        %add3A_184 = arith.addi %mul3A_182, %add3A_183 : i32
        %mul3A_185 = arith.constant 16 : i32
        %mul3A_186 = arith.muli %add3A_184, %mul3A_185 : i32
        %get3A_187 = arith.index_cast %mul3A_186 : i32 to index
        %get3A_188 = tpu.vector_load %arg9[%get3A_187] {strides = array<i32>} : memref<8192xf32, #tpu.memory_space<vmem>>, vector<16xf32>,
        %get3A_189 = vector.shape_cast %get3A_188 : vector<16xf32> to vector<16xf32>
        %mul3A_190 = arith.mulf %get3A_189, %get3A_4 : vector<16xf32>
        %add3A_191 = arith.addf %mul3A_190, %get3A_7 : vector<16xf32>
        %swap3A_192 = arith.index_cast %mul3A_186 : i32 to index
        %swap3A_193 = tpu.vector_load %arg13[%swap3A_192] {strides = array<i32>} : memref<8192xf32, #tpu.memory_space<vmem>>, vector<16xf32>,
        %swap3A_194 = vector.shape_cast %swap3A_193 : vector<16xf32> to vector<16xf32>
        %swap3A_195 = vector.shape_cast %add3A_191 : vector<16xf32> to vector<16xf32>
        tpu.vector_store %arg13[%swap3A_192], %swap3A_195 {strides = array<i32>} : memref<8192xf32, #tpu.memory_space<vmem>>, vector<16xf32>,
        %mul3A_196 = arith.constant 8 : i32
        %mul3A_197 = arith.muli %scan3A_151, %mul3A_196 : i32
        %add3A_198 = arith.constant 3 : i32
        %add3A_199 = arith.addi %mul3A_197, %add3A_198 : i32
        %mul3A_200 = arith.constant 16 : i32
        %mul3A_201 = arith.muli %add3A_199, %mul3A_200 : i32
        %get3A_202 = arith.index_cast %mul3A_201 : i32 to index
        %get3A_203 = tpu.vector_load %arg9[%get3A_202] {strides = array<i32>} : memref<8192xf32, #tpu.memory_space<vmem>>, vector<16xf32>,
        %get3A_204 = vector.shape_cast %get3A_203 : vector<16xf32> to vector<16xf32>
        %mul3A_205 = arith.mulf %get3A_204, %get3A_4 : vector<16xf32>
        %add3A_206 = arith.addf %mul3A_205, %get3A_7 : vector<16xf32>
        %swap3A_207 = arith.index_cast %mul3A_201 : i32 to index
        %swap3A_208 = tpu.vector_load %arg13[%swap3A_207] {strides = array<i32>} : memref<8192xf32, #tpu.memory_space<vmem>>, vector<16xf32>,
        %swap3A_209 = vector.shape_cast %swap3A_208 : vector<16xf32> to vector<16xf32>
        %swap3A_210 = vector.shape_cast %add3A_206 : vector<16xf32> to vector<16xf32>
        tpu.vector_store %arg13[%swap3A_207], %swap3A_210 {strides = array<i32>} : memref<8192xf32, #tpu.memory_space<vmem>>, vector<16xf32>,
        %mul3A_211 = arith.constant 8 : i32
        %mul3A_212 = arith.muli %scan3A_151, %mul3A_211 : i32
        %add3A_213 = arith.constant 4 : i32
        %add3A_214 = arith.addi %mul3A_212, %add3A_213 : i32
        %mul3A_215 = arith.constant 16 : i32
        %mul3A_216 = arith.muli %add3A_214, %mul3A_215 : i32
        %get3A_217 = arith.index_cast %mul3A_216 : i32 to index
        %get3A_218 = tpu.vector_load %arg9[%get3A_217] {strides = array<i32>} : memref<8192xf32, #tpu.memory_space<vmem>>, vector<16xf32>,
        %get3A_219 = vector.shape_cast %get3A_218 : vector<16xf32> to vector<16xf32>
        %mul3A_220 = arith.mulf %get3A_219, %get3A_4 : vector<16xf32>
        %add3A_221 = arith.addf %mul3A_220, %get3A_7 : vector<16xf32>
        %swap3A_222 = arith.index_cast %mul3A_216 : i32 to index
        %swap3A_223 = tpu.vector_load %arg13[%swap3A_222] {strides = array<i32>} : memref<8192xf32, #tpu.memory_space<vmem>>, vector<16xf32>,
        %swap3A_224 = vector.shape_cast %swap3A_223 : vector<16xf32> to vector<16xf32>
        %swap3A_225 = vector.shape_cast %add3A_221 : vector<16xf32> to vector<16xf32>
        tpu.vector_store %arg13[%swap3A_222], %swap3A_225 {strides = array<i32>} : memref<8192xf32, #tpu.memory_space<vmem>>, vector<16xf32>,
        %mul3A_226 = arith.constant 8 : i32
        %mul3A_227 = arith.muli %scan3A_151, %mul3A_226 : i32
        %add3A_228 = arith.constant 5 : i32
        %add3A_229 = arith.addi %mul3A_227, %add3A_228 : i32
        %mul3A_230 = arith.constant 16 : i32
        %mul3A_231 = arith.muli %add3A_229, %mul3A_230 : i32
        %get3A_232 = arith.index_cast %mul3A_231 : i32 to index
        %get3A_233 = tpu.vector_load %arg9[%get3A_232] {strides = array<i32>} : memref<8192xf32, #tpu.memory_space<vmem>>, vector<16xf32>,
        %get3A_234 = vector.shape_cast %get3A_233 : vector<16xf32> to vector<16xf32>
        %mul3A_235 = arith.mulf %get3A_234, %get3A_4 : vector<16xf32>
        %add3A_236 = arith.addf %mul3A_235, %get3A_7 : vector<16xf32>
        %swap3A_237 = arith.index_cast %mul3A_231 : i32 to index
        %swap3A_238 = tpu.vector_load %arg13[%swap3A_237] {strides = array<i32>} : memref<8192xf32, #tpu.memory_space<vmem>>, vector<16xf32>,
        %swap3A_239 = vector.shape_cast %swap3A_238 : vector<16xf32> to vector<16xf32>
        %swap3A_240 = vector.shape_cast %add3A_236 : vector<16xf32> to vector<16xf32>
        tpu.vector_store %arg13[%swap3A_237], %swap3A_240 {strides = array<i32>} : memref<8192xf32, #tpu.memory_space<vmem>>, vector<16xf32>,
        %mul3A_241 = arith.constant 8 : i32
        %mul3A_242 = arith.muli %scan3A_151, %mul3A_241 : i32
        %add3A_243 = arith.constant 6 : i32
        %add3A_244 = arith.addi %mul3A_242, %add3A_243 : i32
        %mul3A_245 = arith.constant 16 : i32
        %mul3A_246 = arith.muli %add3A_244, %mul3A_245 : i32
        %get3A_247 = arith.index_cast %mul3A_246 : i32 to index
        %get3A_248 = tpu.vector_load %arg9[%get3A_247] {strides = array<i32>} : memref<8192xf32, #tpu.memory_space<vmem>>, vector<16xf32>,
        %get3A_249 = vector.shape_cast %get3A_248 : vector<16xf32> to vector<16xf32>
        %mul3A_250 = arith.mulf %get3A_249, %get3A_4 : vector<16xf32>
        %add3A_251 = arith.addf %mul3A_250, %get3A_7 : vector<16xf32>
        %swap3A_252 = arith.index_cast %mul3A_246 : i32 to index
        %swap3A_253 = tpu.vector_load %arg13[%swap3A_252] {strides = array<i32>} : memref<8192xf32, #tpu.memory_space<vmem>>, vector<16xf32>,
        %swap3A_254 = vector.shape_cast %swap3A_253 : vector<16xf32> to vector<16xf32>
        %swap3A_255 = vector.shape_cast %add3A_251 : vector<16xf32> to vector<16xf32>
        tpu.vector_store %arg13[%swap3A_252], %swap3A_255 {strides = array<i32>} : memref<8192xf32, #tpu.memory_space<vmem>>, vector<16xf32>,
        %mul3A_256 = arith.constant 8 : i32
        %mul3A_257 = arith.muli %scan3A_151, %mul3A_256 : i32
        %add3A_258 = arith.constant 7 : i32
        %add3A_259 = arith.addi %mul3A_257, %add3A_258 : i32
        %mul3A_260 = arith.constant 16 : i32
        %mul3A_261 = arith.muli %add3A_259, %mul3A_260 : i32
        %get3A_262 = arith.index_cast %mul3A_261 : i32 to index
        %get3A_263 = tpu.vector_load %arg9[%get3A_262] {strides = array<i32>} : memref<8192xf32, #tpu.memory_space<vmem>>, vector<16xf32>,
        %get3A_264 = vector.shape_cast %get3A_263 : vector<16xf32> to vector<16xf32>
        %mul3A_265 = arith.mulf %get3A_264, %get3A_4 : vector<16xf32>
        %add3A_266 = arith.addf %mul3A_265, %get3A_7 : vector<16xf32>
        %swap3A_267 = arith.index_cast %mul3A_261 : i32 to index
        %swap3A_268 = tpu.vector_load %arg13[%swap3A_267] {strides = array<i32>} : memref<8192xf32, #tpu.memory_space<vmem>>, vector<16xf32>,
        %swap3A_269 = vector.shape_cast %swap3A_268 : vector<16xf32> to vector<16xf32>
        %swap3A_270 = vector.shape_cast %add3A_266 : vector<16xf32> to vector<16xf32>
        tpu.vector_store %arg13[%swap3A_267], %swap3A_270 {strides = array<i32>} : memref<8192xf32, #tpu.memory_space<vmem>>, vector<16xf32>,
      }
      %scan3A_83 = arith.constant 64 : i32
      %mul3A_84 = arith.constant 8192 : i32
      %mul3A_85 = arith.muli %add3A_61, %mul3A_84 : i32
      %add3A_86 = arith.addi %mul3A_2, %mul3A_85 : i32
      %dma_start3A_87 = tpu.memref_slice %arg5[%add3A_86] : memref<4194304xf32, #tpu.memory_space<hbm>> -> memref<8192xf32, #tpu.memory_space<hbm>>
      %dma_start3A_88 = tpu.memref_slice %arg5[%add3A_86] : memref<4194304xf32, #tpu.memory_space<hbm>> -> memref<8192xf32, #tpu.memory_space<hbm>>
      tpu.enqueue_dma source(%arg13 : memref<8192xf32, #tpu.memory_space<vmem>>) target(%dma_start3A_88 : memref<8192xf32, #tpu.memory_space<hbm>>) target_semaphore(%arg21 : memref<!tpu.dma_semaphore, #tpu.memory_space<semaphore_mem>>)
      %mul3A_89 = arith.constant 4 : i32
      %mul3A_90 = arith.muli %scan3A_31, %mul3A_89 : i32
      %add3A_91 = arith.constant 2 : i32
      %add3A_92 = arith.addi %mul3A_90, %add3A_91 : i32
      %add3A_93 = arith.constant 4 : i32
      %add3A_94 = arith.addi %add3A_92, %add3A_93 : i32
      %sub3A_95 = arith.constant 1 : i32
      %sub3A_96 = arith.subi %add3A_94, %sub3A_95 : i32
      %lt3A_97 = arith.constant 16 : i32
      %lt3A_98 = arith.cmpi slt, %sub3A_96, %lt3A_97 : i32
      %convert_element_type3A_99 = arith.extui %lt3A_98 : i1 to i32
      %cond3A_100 = arith.constant 0 : i32
      %cond3A_101 = arith.cmpi ne, %convert_element_type3A_99, %cond3A_100 : i32
      scf.if %cond3A_101 {
        %mul3A_151 = arith.constant 8192 : i32
        %mul3A_152 = arith.muli %sub3A_96, %mul3A_151 : i32
        %add3A_153 = arith.addi %mul3A_2, %mul3A_152 : i32
        %dma_start3A_154 = tpu.memref_slice %arg2[%add3A_153] : memref<4194304xf32, #tpu.memory_space<hbm>> -> memref<8192xf32, #tpu.memory_space<hbm>>
        %dma_start3A_155 = tpu.memref_slice %arg2[%add3A_153] : memref<4194304xf32, #tpu.memory_space<hbm>> -> memref<8192xf32, #tpu.memory_space<hbm>>
        tpu.enqueue_dma source(%dma_start3A_155 : memref<8192xf32, #tpu.memory_space<hbm>>) target(%arg9 : memref<8192xf32, #tpu.memory_space<vmem>>) target_semaphore(%arg17 : memref<!tpu.dma_semaphore, #tpu.memory_space<semaphore_mem>>)
      } else {
      }
      %dma_wait3A_102 = tpu.memref_slice %arg2[%mul3A_2] : memref<4194304xf32, #tpu.memory_space<hbm>> -> memref<8192xf32, #tpu.memory_space<hbm>>
      %dma_wait3A_103 = tpu.memref_slice %arg2[%mul3A_2] : memref<4194304xf32, #tpu.memory_space<hbm>> -> memref<8192xf32, #tpu.memory_space<hbm>>
      tpu.wait_dma2 semaphore(%arg18 : memref<!tpu.dma_semaphore, #tpu.memory_space<semaphore_mem>>) src(%dma_wait3A_103 : memref<8192xf32, #tpu.memory_space<hbm>>) dst(%arg10 : memref<8192xf32, #tpu.memory_space<vmem>>)
      %gt3A_104 = arith.constant 0 : i32
      %gt3A_105 = arith.cmpi sgt, %scan3A_31, %gt3A_104 : i32
      %convert_element_type3A_106 = arith.extui %gt3A_105 : i1 to i32
      %cond3A_107 = arith.constant 0 : i32
      %cond3A_108 = arith.cmpi ne, %convert_element_type3A_106, %cond3A_107 : i32
      scf.if %cond3A_108 {
        %dma_wait3A_151 = tpu.memref_slice %arg2[%mul3A_2] : memref<4194304xf32, #tpu.memory_space<hbm>> -> memref<8192xf32, #tpu.memory_space<hbm>>
        %dma_wait3A_152 = tpu.memref_slice %arg2[%mul3A_2] : memref<4194304xf32, #tpu.memory_space<hbm>> -> memref<8192xf32, #tpu.memory_space<hbm>>
        tpu.wait_dma2 semaphore(%arg22 : memref<!tpu.dma_semaphore, #tpu.memory_space<semaphore_mem>>) src(%dma_wait3A_152 : memref<8192xf32, #tpu.memory_space<hbm>>) dst(%arg14 : memref<8192xf32, #tpu.memory_space<vmem>>)
      } else {
      }
      %scan3A_109 = arith.constant 0 : i32
      %scan3A_110 = arith.constant 0 : i32
      %scan3A_111 = arith.constant 64 : i32
      %scan3A_112 = arith.addi %scan3A_110, %scan3A_111 : i32
      %scan3A_113 = arith.constant 1 : i32
      scf.for %scan3A_151 = %scan3A_110 to %scan3A_112 step %scan3A_113  : i32 {
        %mul3A_152 = arith.constant 8 : i32
        %mul3A_153 = arith.muli %scan3A_151, %mul3A_152 : i32
        %add3A_154 = arith.constant 0 : i32
        %add3A_155 = arith.addi %mul3A_153, %add3A_154 : i32
        %mul3A_156 = arith.constant 16 : i32
        %mul3A_157 = arith.muli %add3A_155, %mul3A_156 : i32
        %get3A_158 = arith.index_cast %mul3A_157 : i32 to index
        %get3A_159 = tpu.vector_load %arg10[%get3A_158] {strides = array<i32>} : memref<8192xf32, #tpu.memory_space<vmem>>, vector<16xf32>,
        %get3A_160 = vector.shape_cast %get3A_159 : vector<16xf32> to vector<16xf32>
        %mul3A_161 = arith.mulf %get3A_160, %get3A_4 : vector<16xf32>
        %add3A_162 = arith.addf %mul3A_161, %get3A_7 : vector<16xf32>
        %swap3A = arith.index_cast %mul3A_157 : i32 to index
        %swap3A_163 = tpu.vector_load %arg14[%swap3A] {strides = array<i32>} : memref<8192xf32, #tpu.memory_space<vmem>>, vector<16xf32>,
        %swap3A_164 = vector.shape_cast %swap3A_163 : vector<16xf32> to vector<16xf32>
        %swap3A_165 = vector.shape_cast %add3A_162 : vector<16xf32> to vector<16xf32>
        tpu.vector_store %arg14[%swap3A], %swap3A_165 {strides = array<i32>} : memref<8192xf32, #tpu.memory_space<vmem>>, vector<16xf32>,
        %mul3A_166 = arith.constant 8 : i32
        %mul3A_167 = arith.muli %scan3A_151, %mul3A_166 : i32
        %add3A_168 = arith.constant 1 : i32
        %add3A_169 = arith.addi %mul3A_167, %add3A_168 : i32
        %mul3A_170 = arith.constant 16 : i32
        %mul3A_171 = arith.muli %add3A_169, %mul3A_170 : i32
        %get3A_172 = arith.index_cast %mul3A_171 : i32 to index
        %get3A_173 = tpu.vector_load %arg10[%get3A_172] {strides = array<i32>} : memref<8192xf32, #tpu.memory_space<vmem>>, vector<16xf32>,
        %get3A_174 = vector.shape_cast %get3A_173 : vector<16xf32> to vector<16xf32>
        %mul3A_175 = arith.mulf %get3A_174, %get3A_4 : vector<16xf32>
        %add3A_176 = arith.addf %mul3A_175, %get3A_7 : vector<16xf32>
        %swap3A_177 = arith.index_cast %mul3A_171 : i32 to index
        %swap3A_178 = tpu.vector_load %arg14[%swap3A_177] {strides = array<i32>} : memref<8192xf32, #tpu.memory_space<vmem>>, vector<16xf32>,
        %swap3A_179 = vector.shape_cast %swap3A_178 : vector<16xf32> to vector<16xf32>
        %swap3A_180 = vector.shape_cast %add3A_176 : vector<16xf32> to vector<16xf32>
        tpu.vector_store %arg14[%swap3A_177], %swap3A_180 {strides = array<i32>} : memref<8192xf32, #tpu.memory_space<vmem>>, vector<16xf32>,
        %mul3A_181 = arith.constant 8 : i32
        %mul3A_182 = arith.muli %scan3A_151, %mul3A_181 : i32
        %add3A_183 = arith.constant 2 : i32
        %add3A_184 = arith.addi %mul3A_182, %add3A_183 : i32
        %mul3A_185 = arith.constant 16 : i32
        %mul3A_186 = arith.muli %add3A_184, %mul3A_185 : i32
        %get3A_187 = arith.index_cast %mul3A_186 : i32 to index
        %get3A_188 = tpu.vector_load %arg10[%get3A_187] {strides = array<i32>} : memref<8192xf32, #tpu.memory_space<vmem>>, vector<16xf32>,
        %get3A_189 = vector.shape_cast %get3A_188 : vector<16xf32> to vector<16xf32>
        %mul3A_190 = arith.mulf %get3A_189, %get3A_4 : vector<16xf32>
        %add3A_191 = arith.addf %mul3A_190, %get3A_7 : vector<16xf32>
        %swap3A_192 = arith.index_cast %mul3A_186 : i32 to index
        %swap3A_193 = tpu.vector_load %arg14[%swap3A_192] {strides = array<i32>} : memref<8192xf32, #tpu.memory_space<vmem>>, vector<16xf32>,
        %swap3A_194 = vector.shape_cast %swap3A_193 : vector<16xf32> to vector<16xf32>
        %swap3A_195 = vector.shape_cast %add3A_191 : vector<16xf32> to vector<16xf32>
        tpu.vector_store %arg14[%swap3A_192], %swap3A_195 {strides = array<i32>} : memref<8192xf32, #tpu.memory_space<vmem>>, vector<16xf32>,
        %mul3A_196 = arith.constant 8 : i32
        %mul3A_197 = arith.muli %scan3A_151, %mul3A_196 : i32
        %add3A_198 = arith.constant 3 : i32
        %add3A_199 = arith.addi %mul3A_197, %add3A_198 : i32
        %mul3A_200 = arith.constant 16 : i32
        %mul3A_201 = arith.muli %add3A_199, %mul3A_200 : i32
        %get3A_202 = arith.index_cast %mul3A_201 : i32 to index
        %get3A_203 = tpu.vector_load %arg10[%get3A_202] {strides = array<i32>} : memref<8192xf32, #tpu.memory_space<vmem>>, vector<16xf32>,
        %get3A_204 = vector.shape_cast %get3A_203 : vector<16xf32> to vector<16xf32>
        %mul3A_205 = arith.mulf %get3A_204, %get3A_4 : vector<16xf32>
        %add3A_206 = arith.addf %mul3A_205, %get3A_7 : vector<16xf32>
        %swap3A_207 = arith.index_cast %mul3A_201 : i32 to index
        %swap3A_208 = tpu.vector_load %arg14[%swap3A_207] {strides = array<i32>} : memref<8192xf32, #tpu.memory_space<vmem>>, vector<16xf32>,
        %swap3A_209 = vector.shape_cast %swap3A_208 : vector<16xf32> to vector<16xf32>
        %swap3A_210 = vector.shape_cast %add3A_206 : vector<16xf32> to vector<16xf32>
        tpu.vector_store %arg14[%swap3A_207], %swap3A_210 {strides = array<i32>} : memref<8192xf32, #tpu.memory_space<vmem>>, vector<16xf32>,
        %mul3A_211 = arith.constant 8 : i32
        %mul3A_212 = arith.muli %scan3A_151, %mul3A_211 : i32
        %add3A_213 = arith.constant 4 : i32
        %add3A_214 = arith.addi %mul3A_212, %add3A_213 : i32
        %mul3A_215 = arith.constant 16 : i32
        %mul3A_216 = arith.muli %add3A_214, %mul3A_215 : i32
        %get3A_217 = arith.index_cast %mul3A_216 : i32 to index
        %get3A_218 = tpu.vector_load %arg10[%get3A_217] {strides = array<i32>} : memref<8192xf32, #tpu.memory_space<vmem>>, vector<16xf32>,
        %get3A_219 = vector.shape_cast %get3A_218 : vector<16xf32> to vector<16xf32>
        %mul3A_220 = arith.mulf %get3A_219, %get3A_4 : vector<16xf32>
        %add3A_221 = arith.addf %mul3A_220, %get3A_7 : vector<16xf32>
        %swap3A_222 = arith.index_cast %mul3A_216 : i32 to index
        %swap3A_223 = tpu.vector_load %arg14[%swap3A_222] {strides = array<i32>} : memref<8192xf32, #tpu.memory_space<vmem>>, vector<16xf32>,
        %swap3A_224 = vector.shape_cast %swap3A_223 : vector<16xf32> to vector<16xf32>
        %swap3A_225 = vector.shape_cast %add3A_221 : vector<16xf32> to vector<16xf32>
        tpu.vector_store %arg14[%swap3A_222], %swap3A_225 {strides = array<i32>} : memref<8192xf32, #tpu.memory_space<vmem>>, vector<16xf32>,
        %mul3A_226 = arith.constant 8 : i32
        %mul3A_227 = arith.muli %scan3A_151, %mul3A_226 : i32
        %add3A_228 = arith.constant 5 : i32
        %add3A_229 = arith.addi %mul3A_227, %add3A_228 : i32
        %mul3A_230 = arith.constant 16 : i32
        %mul3A_231 = arith.muli %add3A_229, %mul3A_230 : i32
        %get3A_232 = arith.index_cast %mul3A_231 : i32 to index
        %get3A_233 = tpu.vector_load %arg10[%get3A_232] {strides = array<i32>} : memref<8192xf32, #tpu.memory_space<vmem>>, vector<16xf32>,
        %get3A_234 = vector.shape_cast %get3A_233 : vector<16xf32> to vector<16xf32>
        %mul3A_235 = arith.mulf %get3A_234, %get3A_4 : vector<16xf32>
        %add3A_236 = arith.addf %mul3A_235, %get3A_7 : vector<16xf32>
        %swap3A_237 = arith.index_cast %mul3A_231 : i32 to index
        %swap3A_238 = tpu.vector_load %arg14[%swap3A_237] {strides = array<i32>} : memref<8192xf32, #tpu.memory_space<vmem>>, vector<16xf32>,
        %swap3A_239 = vector.shape_cast %swap3A_238 : vector<16xf32> to vector<16xf32>
        %swap3A_240 = vector.shape_cast %add3A_236 : vector<16xf32> to vector<16xf32>
        tpu.vector_store %arg14[%swap3A_237], %swap3A_240 {strides = array<i32>} : memref<8192xf32, #tpu.memory_space<vmem>>, vector<16xf32>,
        %mul3A_241 = arith.constant 8 : i32
        %mul3A_242 = arith.muli %scan3A_151, %mul3A_241 : i32
        %add3A_243 = arith.constant 6 : i32
        %add3A_244 = arith.addi %mul3A_242, %add3A_243 : i32
        %mul3A_245 = arith.constant 16 : i32
        %mul3A_246 = arith.muli %add3A_244, %mul3A_245 : i32
        %get3A_247 = arith.index_cast %mul3A_246 : i32 to index
        %get3A_248 = tpu.vector_load %arg10[%get3A_247] {strides = array<i32>} : memref<8192xf32, #tpu.memory_space<vmem>>, vector<16xf32>,
        %get3A_249 = vector.shape_cast %get3A_248 : vector<16xf32> to vector<16xf32>
        %mul3A_250 = arith.mulf %get3A_249, %get3A_4 : vector<16xf32>
        %add3A_251 = arith.addf %mul3A_250, %get3A_7 : vector<16xf32>
        %swap3A_252 = arith.index_cast %mul3A_246 : i32 to index
        %swap3A_253 = tpu.vector_load %arg14[%swap3A_252] {strides = array<i32>} : memref<8192xf32, #tpu.memory_space<vmem>>, vector<16xf32>,
        %swap3A_254 = vector.shape_cast %swap3A_253 : vector<16xf32> to vector<16xf32>
        %swap3A_255 = vector.shape_cast %add3A_251 : vector<16xf32> to vector<16xf32>
        tpu.vector_store %arg14[%swap3A_252], %swap3A_255 {strides = array<i32>} : memref<8192xf32, #tpu.memory_space<vmem>>, vector<16xf32>,
        %mul3A_256 = arith.constant 8 : i32
        %mul3A_257 = arith.muli %scan3A_151, %mul3A_256 : i32
        %add3A_258 = arith.constant 7 : i32
        %add3A_259 = arith.addi %mul3A_257, %add3A_258 : i32
        %mul3A_260 = arith.constant 16 : i32
        %mul3A_261 = arith.muli %add3A_259, %mul3A_260 : i32
        %get3A_262 = arith.index_cast %mul3A_261 : i32 to index
        %get3A_263 = tpu.vector_load %arg10[%get3A_262] {strides = array<i32>} : memref<8192xf32, #tpu.memory_space<vmem>>, vector<16xf32>,
        %get3A_264 = vector.shape_cast %get3A_263 : vector<16xf32> to vector<16xf32>
        %mul3A_265 = arith.mulf %get3A_264, %get3A_4 : vector<16xf32>
        %add3A_266 = arith.addf %mul3A_265, %get3A_7 : vector<16xf32>
        %swap3A_267 = arith.index_cast %mul3A_261 : i32 to index
        %swap3A_268 = tpu.vector_load %arg14[%swap3A_267] {strides = array<i32>} : memref<8192xf32, #tpu.memory_space<vmem>>, vector<16xf32>,
        %swap3A_269 = vector.shape_cast %swap3A_268 : vector<16xf32> to vector<16xf32>
        %swap3A_270 = vector.shape_cast %add3A_266 : vector<16xf32> to vector<16xf32>
        tpu.vector_store %arg14[%swap3A_267], %swap3A_270 {strides = array<i32>} : memref<8192xf32, #tpu.memory_space<vmem>>, vector<16xf32>,
      }
      %scan3A_114 = arith.constant 64 : i32
      %mul3A_115 = arith.constant 8192 : i32
      %mul3A_116 = arith.muli %add3A_92, %mul3A_115 : i32
      %add3A_117 = arith.addi %mul3A_2, %mul3A_116 : i32
      %dma_start3A_118 = tpu.memref_slice %arg5[%add3A_117] : memref<4194304xf32, #tpu.memory_space<hbm>> -> memref<8192xf32, #tpu.memory_space<hbm>>
      %dma_start3A_119 = tpu.memref_slice %arg5[%add3A_117] : memref<4194304xf32, #tpu.memory_space<hbm>> -> memref<8192xf32, #tpu.memory_space<hbm>>
      tpu.enqueue_dma source(%arg14 : memref<8192xf32, #tpu.memory_space<vmem>>) target(%dma_start3A_119 : memref<8192xf32, #tpu.memory_space<hbm>>) target_semaphore(%arg22 : memref<!tpu.dma_semaphore, #tpu.memory_space<semaphore_mem>>)
      %mul3A_120 = arith.constant 4 : i32
      %mul3A_121 = arith.muli %scan3A_31, %mul3A_120 : i32
      %add3A_122 = arith.constant 3 : i32
      %add3A_123 = arith.addi %mul3A_121, %add3A_122 : i32
      %add3A_124 = arith.constant 4 : i32
      %add3A_125 = arith.addi %add3A_123, %add3A_124 : i32
      %sub3A_126 = arith.constant 1 : i32
      %sub3A_127 = arith.subi %add3A_125, %sub3A_126 : i32
      %lt3A_128 = arith.constant 16 : i32
      %lt3A_129 = arith.cmpi slt, %sub3A_127, %lt3A_128 : i32
      %convert_element_type3A_130 = arith.extui %lt3A_129 : i1 to i32
      %cond3A_131 = arith.constant 0 : i32
      %cond3A_132 = arith.cmpi ne, %convert_element_type3A_130, %cond3A_131 : i32
      scf.if %cond3A_132 {
        %mul3A_151 = arith.constant 8192 : i32
        %mul3A_152 = arith.muli %sub3A_127, %mul3A_151 : i32
        %add3A_153 = arith.addi %mul3A_2, %mul3A_152 : i32
        %dma_start3A_154 = tpu.memref_slice %arg2[%add3A_153] : memref<4194304xf32, #tpu.memory_space<hbm>> -> memref<8192xf32, #tpu.memory_space<hbm>>
        %dma_start3A_155 = tpu.memref_slice %arg2[%add3A_153] : memref<4194304xf32, #tpu.memory_space<hbm>> -> memref<8192xf32, #tpu.memory_space<hbm>>
        tpu.enqueue_dma source(%dma_start3A_155 : memref<8192xf32, #tpu.memory_space<hbm>>) target(%arg10 : memref<8192xf32, #tpu.memory_space<vmem>>) target_semaphore(%arg18 : memref<!tpu.dma_semaphore, #tpu.memory_space<semaphore_mem>>)
      } else {
      }
      %dma_wait3A_133 = tpu.memref_slice %arg2[%mul3A_2] : memref<4194304xf32, #tpu.memory_space<hbm>> -> memref<8192xf32, #tpu.memory_space<hbm>>
      %dma_wait3A_134 = tpu.memref_slice %arg2[%mul3A_2] : memref<4194304xf32, #tpu.memory_space<hbm>> -> memref<8192xf32, #tpu.memory_space<hbm>>
      tpu.wait_dma2 semaphore(%arg19 : memref<!tpu.dma_semaphore, #tpu.memory_space<semaphore_mem>>) src(%dma_wait3A_134 : memref<8192xf32, #tpu.memory_space<hbm>>) dst(%arg11 : memref<8192xf32, #tpu.memory_space<vmem>>)
      %gt3A_135 = arith.constant 0 : i32
      %gt3A_136 = arith.cmpi sgt, %scan3A_31, %gt3A_135 : i32
      %convert_element_type3A_137 = arith.extui %gt3A_136 : i1 to i32
      %cond3A_138 = arith.constant 0 : i32
      %cond3A_139 = arith.cmpi ne, %convert_element_type3A_137, %cond3A_138 : i32
      scf.if %cond3A_139 {
        %dma_wait3A_151 = tpu.memref_slice %arg2[%mul3A_2] : memref<4194304xf32, #tpu.memory_space<hbm>> -> memref<8192xf32, #tpu.memory_space<hbm>>
        %dma_wait3A_152 = tpu.memref_slice %arg2[%mul3A_2] : memref<4194304xf32, #tpu.memory_space<hbm>> -> memref<8192xf32, #tpu.memory_space<hbm>>
        tpu.wait_dma2 semaphore(%arg23 : memref<!tpu.dma_semaphore, #tpu.memory_space<semaphore_mem>>) src(%dma_wait3A_152 : memref<8192xf32, #tpu.memory_space<hbm>>) dst(%arg15 : memref<8192xf32, #tpu.memory_space<vmem>>)
      } else {
      }
      %scan3A_140 = arith.constant 0 : i32
      %scan3A_141 = arith.constant 0 : i32
      %scan3A_142 = arith.constant 64 : i32
      %scan3A_143 = arith.addi %scan3A_141, %scan3A_142 : i32
      %scan3A_144 = arith.constant 1 : i32
      scf.for %scan3A_151 = %scan3A_141 to %scan3A_143 step %scan3A_144  : i32 {
        %mul3A_152 = arith.constant 8 : i32
        %mul3A_153 = arith.muli %scan3A_151, %mul3A_152 : i32
        %add3A_154 = arith.constant 0 : i32
        %add3A_155 = arith.addi %mul3A_153, %add3A_154 : i32
        %mul3A_156 = arith.constant 16 : i32
        %mul3A_157 = arith.muli %add3A_155, %mul3A_156 : i32
        %get3A_158 = arith.index_cast %mul3A_157 : i32 to index
        %get3A_159 = tpu.vector_load %arg11[%get3A_158] {strides = array<i32>} : memref<8192xf32, #tpu.memory_space<vmem>>, vector<16xf32>,
        %get3A_160 = vector.shape_cast %get3A_159 : vector<16xf32> to vector<16xf32>
        %mul3A_161 = arith.mulf %get3A_160, %get3A_4 : vector<16xf32>
        %add3A_162 = arith.addf %mul3A_161, %get3A_7 : vector<16xf32>
        %swap3A = arith.index_cast %mul3A_157 : i32 to index
        %swap3A_163 = tpu.vector_load %arg15[%swap3A] {strides = array<i32>} : memref<8192xf32, #tpu.memory_space<vmem>>, vector<16xf32>,
        %swap3A_164 = vector.shape_cast %swap3A_163 : vector<16xf32> to vector<16xf32>
        %swap3A_165 = vector.shape_cast %add3A_162 : vector<16xf32> to vector<16xf32>
        tpu.vector_store %arg15[%swap3A], %swap3A_165 {strides = array<i32>} : memref<8192xf32, #tpu.memory_space<vmem>>, vector<16xf32>,
        %mul3A_166 = arith.constant 8 : i32
        %mul3A_167 = arith.muli %scan3A_151, %mul3A_166 : i32
        %add3A_168 = arith.constant 1 : i32
        %add3A_169 = arith.addi %mul3A_167, %add3A_168 : i32
        %mul3A_170 = arith.constant 16 : i32
        %mul3A_171 = arith.muli %add3A_169, %mul3A_170 : i32
        %get3A_172 = arith.index_cast %mul3A_171 : i32 to index
        %get3A_173 = tpu.vector_load %arg11[%get3A_172] {strides = array<i32>} : memref<8192xf32, #tpu.memory_space<vmem>>, vector<16xf32>,
        %get3A_174 = vector.shape_cast %get3A_173 : vector<16xf32> to vector<16xf32>
        %mul3A_175 = arith.mulf %get3A_174, %get3A_4 : vector<16xf32>
        %add3A_176 = arith.addf %mul3A_175, %get3A_7 : vector<16xf32>
        %swap3A_177 = arith.index_cast %mul3A_171 : i32 to index
        %swap3A_178 = tpu.vector_load %arg15[%swap3A_177] {strides = array<i32>} : memref<8192xf32, #tpu.memory_space<vmem>>, vector<16xf32>,
        %swap3A_179 = vector.shape_cast %swap3A_178 : vector<16xf32> to vector<16xf32>
        %swap3A_180 = vector.shape_cast %add3A_176 : vector<16xf32> to vector<16xf32>
        tpu.vector_store %arg15[%swap3A_177], %swap3A_180 {strides = array<i32>} : memref<8192xf32, #tpu.memory_space<vmem>>, vector<16xf32>,
        %mul3A_181 = arith.constant 8 : i32
        %mul3A_182 = arith.muli %scan3A_151, %mul3A_181 : i32
        %add3A_183 = arith.constant 2 : i32
        %add3A_184 = arith.addi %mul3A_182, %add3A_183 : i32
        %mul3A_185 = arith.constant 16 : i32
        %mul3A_186 = arith.muli %add3A_184, %mul3A_185 : i32
        %get3A_187 = arith.index_cast %mul3A_186 : i32 to index
        %get3A_188 = tpu.vector_load %arg11[%get3A_187] {strides = array<i32>} : memref<8192xf32, #tpu.memory_space<vmem>>, vector<16xf32>,
        %get3A_189 = vector.shape_cast %get3A_188 : vector<16xf32> to vector<16xf32>
        %mul3A_190 = arith.mulf %get3A_189, %get3A_4 : vector<16xf32>
        %add3A_191 = arith.addf %mul3A_190, %get3A_7 : vector<16xf32>
        %swap3A_192 = arith.index_cast %mul3A_186 : i32 to index
        %swap3A_193 = tpu.vector_load %arg15[%swap3A_192] {strides = array<i32>} : memref<8192xf32, #tpu.memory_space<vmem>>, vector<16xf32>,
        %swap3A_194 = vector.shape_cast %swap3A_193 : vector<16xf32> to vector<16xf32>
        %swap3A_195 = vector.shape_cast %add3A_191 : vector<16xf32> to vector<16xf32>
        tpu.vector_store %arg15[%swap3A_192], %swap3A_195 {strides = array<i32>} : memref<8192xf32, #tpu.memory_space<vmem>>, vector<16xf32>,
        %mul3A_196 = arith.constant 8 : i32
        %mul3A_197 = arith.muli %scan3A_151, %mul3A_196 : i32
        %add3A_198 = arith.constant 3 : i32
        %add3A_199 = arith.addi %mul3A_197, %add3A_198 : i32
        %mul3A_200 = arith.constant 16 : i32
        %mul3A_201 = arith.muli %add3A_199, %mul3A_200 : i32
        %get3A_202 = arith.index_cast %mul3A_201 : i32 to index
        %get3A_203 = tpu.vector_load %arg11[%get3A_202] {strides = array<i32>} : memref<8192xf32, #tpu.memory_space<vmem>>, vector<16xf32>,
        %get3A_204 = vector.shape_cast %get3A_203 : vector<16xf32> to vector<16xf32>
        %mul3A_205 = arith.mulf %get3A_204, %get3A_4 : vector<16xf32>
        %add3A_206 = arith.addf %mul3A_205, %get3A_7 : vector<16xf32>
        %swap3A_207 = arith.index_cast %mul3A_201 : i32 to index
        %swap3A_208 = tpu.vector_load %arg15[%swap3A_207] {strides = array<i32>} : memref<8192xf32, #tpu.memory_space<vmem>>, vector<16xf32>,
        %swap3A_209 = vector.shape_cast %swap3A_208 : vector<16xf32> to vector<16xf32>
        %swap3A_210 = vector.shape_cast %add3A_206 : vector<16xf32> to vector<16xf32>
        tpu.vector_store %arg15[%swap3A_207], %swap3A_210 {strides = array<i32>} : memref<8192xf32, #tpu.memory_space<vmem>>, vector<16xf32>,
        %mul3A_211 = arith.constant 8 : i32
        %mul3A_212 = arith.muli %scan3A_151, %mul3A_211 : i32
        %add3A_213 = arith.constant 4 : i32
        %add3A_214 = arith.addi %mul3A_212, %add3A_213 : i32
        %mul3A_215 = arith.constant 16 : i32
        %mul3A_216 = arith.muli %add3A_214, %mul3A_215 : i32
        %get3A_217 = arith.index_cast %mul3A_216 : i32 to index
        %get3A_218 = tpu.vector_load %arg11[%get3A_217] {strides = array<i32>} : memref<8192xf32, #tpu.memory_space<vmem>>, vector<16xf32>,
        %get3A_219 = vector.shape_cast %get3A_218 : vector<16xf32> to vector<16xf32>
        %mul3A_220 = arith.mulf %get3A_219, %get3A_4 : vector<16xf32>
        %add3A_221 = arith.addf %mul3A_220, %get3A_7 : vector<16xf32>
        %swap3A_222 = arith.index_cast %mul3A_216 : i32 to index
        %swap3A_223 = tpu.vector_load %arg15[%swap3A_222] {strides = array<i32>} : memref<8192xf32, #tpu.memory_space<vmem>>, vector<16xf32>,
        %swap3A_224 = vector.shape_cast %swap3A_223 : vector<16xf32> to vector<16xf32>
        %swap3A_225 = vector.shape_cast %add3A_221 : vector<16xf32> to vector<16xf32>
        tpu.vector_store %arg15[%swap3A_222], %swap3A_225 {strides = array<i32>} : memref<8192xf32, #tpu.memory_space<vmem>>, vector<16xf32>,
        %mul3A_226 = arith.constant 8 : i32
        %mul3A_227 = arith.muli %scan3A_151, %mul3A_226 : i32
        %add3A_228 = arith.constant 5 : i32
        %add3A_229 = arith.addi %mul3A_227, %add3A_228 : i32
        %mul3A_230 = arith.constant 16 : i32
        %mul3A_231 = arith.muli %add3A_229, %mul3A_230 : i32
        %get3A_232 = arith.index_cast %mul3A_231 : i32 to index
        %get3A_233 = tpu.vector_load %arg11[%get3A_232] {strides = array<i32>} : memref<8192xf32, #tpu.memory_space<vmem>>, vector<16xf32>,
        %get3A_234 = vector.shape_cast %get3A_233 : vector<16xf32> to vector<16xf32>
        %mul3A_235 = arith.mulf %get3A_234, %get3A_4 : vector<16xf32>
        %add3A_236 = arith.addf %mul3A_235, %get3A_7 : vector<16xf32>
        %swap3A_237 = arith.index_cast %mul3A_231 : i32 to index
        %swap3A_238 = tpu.vector_load %arg15[%swap3A_237] {strides = array<i32>} : memref<8192xf32, #tpu.memory_space<vmem>>, vector<16xf32>,
        %swap3A_239 = vector.shape_cast %swap3A_238 : vector<16xf32> to vector<16xf32>
        %swap3A_240 = vector.shape_cast %add3A_236 : vector<16xf32> to vector<16xf32>
        tpu.vector_store %arg15[%swap3A_237], %swap3A_240 {strides = array<i32>} : memref<8192xf32, #tpu.memory_space<vmem>>, vector<16xf32>,
        %mul3A_241 = arith.constant 8 : i32
        %mul3A_242 = arith.muli %scan3A_151, %mul3A_241 : i32
        %add3A_243 = arith.constant 6 : i32
        %add3A_244 = arith.addi %mul3A_242, %add3A_243 : i32
        %mul3A_245 = arith.constant 16 : i32
        %mul3A_246 = arith.muli %add3A_244, %mul3A_245 : i32
        %get3A_247 = arith.index_cast %mul3A_246 : i32 to index
        %get3A_248 = tpu.vector_load %arg11[%get3A_247] {strides = array<i32>} : memref<8192xf32, #tpu.memory_space<vmem>>, vector<16xf32>,
        %get3A_249 = vector.shape_cast %get3A_248 : vector<16xf32> to vector<16xf32>
        %mul3A_250 = arith.mulf %get3A_249, %get3A_4 : vector<16xf32>
        %add3A_251 = arith.addf %mul3A_250, %get3A_7 : vector<16xf32>
        %swap3A_252 = arith.index_cast %mul3A_246 : i32 to index
        %swap3A_253 = tpu.vector_load %arg15[%swap3A_252] {strides = array<i32>} : memref<8192xf32, #tpu.memory_space<vmem>>, vector<16xf32>,
        %swap3A_254 = vector.shape_cast %swap3A_253 : vector<16xf32> to vector<16xf32>
        %swap3A_255 = vector.shape_cast %add3A_251 : vector<16xf32> to vector<16xf32>
        tpu.vector_store %arg15[%swap3A_252], %swap3A_255 {strides = array<i32>} : memref<8192xf32, #tpu.memory_space<vmem>>, vector<16xf32>,
        %mul3A_256 = arith.constant 8 : i32
        %mul3A_257 = arith.muli %scan3A_151, %mul3A_256 : i32
        %add3A_258 = arith.constant 7 : i32
        %add3A_259 = arith.addi %mul3A_257, %add3A_258 : i32
        %mul3A_260 = arith.constant 16 : i32
        %mul3A_261 = arith.muli %add3A_259, %mul3A_260 : i32
        %get3A_262 = arith.index_cast %mul3A_261 : i32 to index
        %get3A_263 = tpu.vector_load %arg11[%get3A_262] {strides = array<i32>} : memref<8192xf32, #tpu.memory_space<vmem>>, vector<16xf32>,
        %get3A_264 = vector.shape_cast %get3A_263 : vector<16xf32> to vector<16xf32>
        %mul3A_265 = arith.mulf %get3A_264, %get3A_4 : vector<16xf32>
        %add3A_266 = arith.addf %mul3A_265, %get3A_7 : vector<16xf32>
        %swap3A_267 = arith.index_cast %mul3A_261 : i32 to index
        %swap3A_268 = tpu.vector_load %arg15[%swap3A_267] {strides = array<i32>} : memref<8192xf32, #tpu.memory_space<vmem>>, vector<16xf32>,
        %swap3A_269 = vector.shape_cast %swap3A_268 : vector<16xf32> to vector<16xf32>
        %swap3A_270 = vector.shape_cast %add3A_266 : vector<16xf32> to vector<16xf32>
        tpu.vector_store %arg15[%swap3A_267], %swap3A_270 {strides = array<i32>} : memref<8192xf32, #tpu.memory_space<vmem>>, vector<16xf32>,
      }
      %scan3A_145 = arith.constant 64 : i32
      %mul3A_146 = arith.constant 8192 : i32
      %mul3A_147 = arith.muli %add3A_123, %mul3A_146 : i32
      %add3A_148 = arith.addi %mul3A_2, %mul3A_147 : i32
      %dma_start3A_149 = tpu.memref_slice %arg5[%add3A_148] : memref<4194304xf32, #tpu.memory_space<hbm>> -> memref<8192xf32, #tpu.memory_space<hbm>>
      %dma_start3A_150 = tpu.memref_slice %arg5[%add3A_148] : memref<4194304xf32, #tpu.memory_space<hbm>> -> memref<8192xf32, #tpu.memory_space<hbm>>
      tpu.enqueue_dma source(%arg15 : memref<8192xf32, #tpu.memory_space<vmem>>) target(%dma_start3A_150 : memref<8192xf32, #tpu.memory_space<hbm>>) target_semaphore(%arg23 : memref<!tpu.dma_semaphore, #tpu.memory_space<semaphore_mem>>)
    }
    %scan3A_23 = arith.constant 4 : i32
    %dma_wait3A = tpu.memref_slice %arg2[%mul3A_2] : memref<4194304xf32, #tpu.memory_space<hbm>> -> memref<8192xf32, #tpu.memory_space<hbm>>
    %dma_wait3A_24 = tpu.memref_slice %arg2[%mul3A_2] : memref<4194304xf32, #tpu.memory_space<hbm>> -> memref<8192xf32, #tpu.memory_space<hbm>>
    tpu.wait_dma2 semaphore(%arg20 : memref<!tpu.dma_semaphore, #tpu.memory_space<semaphore_mem>>) src(%dma_wait3A_24 : memref<8192xf32, #tpu.memory_space<hbm>>) dst(%arg12 : memref<8192xf32, #tpu.memory_space<vmem>>)
    %dma_wait3A_25 = tpu.memref_slice %arg2[%mul3A_2] : memref<4194304xf32, #tpu.memory_space<hbm>> -> memref<8192xf32, #tpu.memory_space<hbm>>
    %dma_wait3A_26 = tpu.memref_slice %arg2[%mul3A_2] : memref<4194304xf32, #tpu.memory_space<hbm>> -> memref<8192xf32, #tpu.memory_space<hbm>>
    tpu.wait_dma2 semaphore(%arg21 : memref<!tpu.dma_semaphore, #tpu.memory_space<semaphore_mem>>) src(%dma_wait3A_26 : memref<8192xf32, #tpu.memory_space<hbm>>) dst(%arg13 : memref<8192xf32, #tpu.memory_space<vmem>>)
    %dma_wait3A_27 = tpu.memref_slice %arg2[%mul3A_2] : memref<4194304xf32, #tpu.memory_space<hbm>> -> memref<8192xf32, #tpu.memory_space<hbm>>
    %dma_wait3A_28 = tpu.memref_slice %arg2[%mul3A_2] : memref<4194304xf32, #tpu.memory_space<hbm>> -> memref<8192xf32, #tpu.memory_space<hbm>>
    tpu.wait_dma2 semaphore(%arg22 : memref<!tpu.dma_semaphore, #tpu.memory_space<semaphore_mem>>) src(%dma_wait3A_28 : memref<8192xf32, #tpu.memory_space<hbm>>) dst(%arg14 : memref<8192xf32, #tpu.memory_space<vmem>>)
    %dma_wait3A_29 = tpu.memref_slice %arg2[%mul3A_2] : memref<4194304xf32, #tpu.memory_space<hbm>> -> memref<8192xf32, #tpu.memory_space<hbm>>
    %dma_wait3A_30 = tpu.memref_slice %arg2[%mul3A_2] : memref<4194304xf32, #tpu.memory_space<hbm>> -> memref<8192xf32, #tpu.memory_space<hbm>>
    tpu.wait_dma2 semaphore(%arg23 : memref<!tpu.dma_semaphore, #tpu.memory_space<semaphore_mem>>) src(%dma_wait3A_30 : memref<8192xf32, #tpu.memory_space<hbm>>) dst(%arg15 : memref<8192xf32, #tpu.memory_space<vmem>>)
    return
  }
}

</mosaic_0001>

<sc_bundles>
// kernel: kernel.3.cloned.1.call-start
scs
__scs_entry_jumppad:
0x0: {  	(pc) =	sbr.rel $0x88, $3  }
0x1: {  	(tag) =	ssettag $0x0;
	lr =	simm.s32 $0x1  }
0x2: {  	[smem:$0x3F9E] =	sst lr;
	_ =	strace $0xD0000000  }
0x3: {  	_ = 	snop  }
0x4: {  	_ = 	snop  }
0x5: {  	_ = 	snop  }
0x6: {  	_ = 	snop  }
0x7: {  	_ = 	snop  }
__scs_overlays_trampoline_lowered:
0x8: {  	[smem:$0x3FAD] =	sst s0  }
0x9: {  	[smem:$0x3FAE] =	sst s1  }
0xa: {  	[smem:$0x3FAF] =	sst s2  }
0xb: {  	[smem:$0x3FB0] =	sst s3  }
0xc: {  	[smem:$0x3FB1] =	sst s4  }
0xd: {  	[smem:$0x3FB2] =	sst s5  }
0xe: {  	[smem:$0x3FB3] =	sst s6  }
0xf: {  	[smem:$0x3FB4] =	sst s7  }
0x10: {  	[smem:$0x3FB5] =	sst s8  }
0x11: {  	[smem:$0x3FB6] =	sst s9;
	s0 =	simm.s32 @!p0 $0x0  }
0x12: {  	s1 =	sld [smem:$0x3F9C];
	s0 =	simm.s32 @p0 $0x1  }
0x13: {  	[smem:$0x3FB7] =	sst s0;
	s0 =	simm.s32 @!p1 $0x0  }
0x14: {  	s2 =	sld [smem:$0x3F9B];
	s0 =	simm.s32 @p1 $0x1  }
0x15: {  	[smem:$0x3FB8] =	sst s0;
	s0 =	simm.s32 @!p2 $0x0  }
0x16: {  	s3 =	sld [smem:$0x3FDB];
	s0 =	simm.s32 @p2 $0x1  }
0x17: {  	s4 =	simm.s32 $0x1BF5;
	[smem:$0x3FBA] =	sst s0  }
0x18: {  	s0 =	sld [smem:$0x3F9D];
	_ =	swait.ge [sflag:s4], $0x0  }
0x19: {  	s7 =	sld [smem:$0x3F9E]  }
0x1a: {  	s8 =	sadd.s32 $0xFFFFE003, lr  }
0x1b: {  	s9 =	sadd.s32 $0xFFFFFEF7, lr;
	s5 =	simm.s32 $0xFFFFFFFF;
	p2 =	slt.u32 s8, $0xFFFFF086  }
0x1c: {  	p1 =	slt.u32 s9, $0xF7A;
	s5 =	simm.s32 @!p2 $0x0  }
0x1d: {  	s5 =	simm.s32 @p1 $0x1;
	p0 =	seq.s32 s7, s2  }
0x1e: {  	s7 =	smul.u32 @!p0 $0xF7A, s2;
	p2 =	seq.s32 @!p0 s5, $0x0  }
0x1f: {  	s9 =	smul.u32 $0xF7A, s1;
	s8 =	simm.s32 @!p0 $0x1BF5;
	p2 =	por !p2, p0  }
0x20: {  	[sflag:s8] =	ssyncset.s32 @!p0 $0xFFFFF086;
	s6 =	sadd.s32 @!p0 s3, s7;
	s7 =	simm.s32 @!p0 $0x108  }
0x21: {  	s3 =	sadd.s32 s3, s9;
	s6 =	sadd.s32 @!p0 $0x88, s6;
	s7 =	simm.s32 @p2 $0x1082  }
0x22: {  	[simem:s7], [sflag:s8] =	dma.local @!p0 [hbm:s6], $0xF7A  }
0x23: {  	s9 =	sor.u32 $0xD0000000, s2;
	s6 =	simm.s32 $0x108;
	_ =	swait.ge @!p0 [sflag:s8], $0x0  }
0x24: {  	s3 =	sadd.s32 $0x88, s3;
	s6 =	simm.s32 @!p1 $0x1082;
	[sflag:s4] =	ssyncset.s32 $0xFFFFF086  }
0x25: {  	[simem:s6], [sflag:s4] =	dma.local [hbm:s3], $0xF7A  }
0x26: {  	[smem:$0x3F9E] =	sst s1;
	(tag) =	ssettag s2;
	_ =	strace s9  }
0x27: {  	s1 =	sld [smem:$0x3FAE]  }
0x28: {  	s2 =	sld [smem:$0x3FAF]  }
0x29: {  	s4 =	sld [smem:$0x3FB1]  }
0x2a: {  	p0 =	seq.s32 s5, $0x0;
	s5 =	sld [smem:$0x3FB2]  }
0x2b: {  	s6 =	sld [smem:$0x3FB3]  }
0x2c: {  	s7 =	sld [smem:$0x3FB4]  }
0x2d: {  	s3 =	simm.s32 $0x108;
	s8 =	sld [smem:$0x3FB5]  }
0x2e: {  	s3 =	simm.s32 @!p0 $0x1082;
	s9 =	sld [smem:$0x3FB6]  }
0x2f: {  	lr =	sadd.s32 s0, s3;
	s0 =	sld [smem:$0x3FAD]  }
0x30: {  	s3 =	sld [smem:$0x3FB0]  }
0x31: {  	[smem:$0x3FB9] =	sst s10  }
0x32: {  	s10 =	sld [smem:$0x3FB7];
	_ =	sdelay $0x3  }
0x33: {  	p0 =	seq.s32 s10, $0x1;
	s10 =	sld [smem:$0x3FB9];
	_ =	sdelay $0x3  }
0x34: {  	[smem:$0x3FB9] =	sst s10  }
0x35: {  	s10 =	sld [smem:$0x3FB8];
	_ =	sdelay $0x3  }
0x36: {  	p1 =	seq.s32 s10, $0x1;
	s10 =	sld [smem:$0x3FB9];
	_ =	sdelay $0x3  }
0x37: {  	[smem:$0x3FB9] =	sst s10  }
0x38: {  	s10 =	sld [smem:$0x3FBA]  }
0x39: {  	_ = 	snop;
	(pc) =	sbr.ind lr, $3  }
0x3a: {  	_ = 	snop  }
0x3b: {  	_ = 	snop  }
0x3c: {  	p2 =	seq.s32 s10, $0x1;
	s10 =	sld [smem:$0x3FB9]  }
0x3d: {  	_ =	shalt  }
0x3e: {  	_ =	shalt  }
0x3f: {  	_ =	shalt  }
0x40: {  	_ =	shalt  }
0x41: {  	_ =	shalt  }
0x42: {  	_ =	shalt  }
0x43: {  	_ =	shalt  }
0x44: {  	_ =	shalt  }
0x45: {  	_ =	shalt  }
0x46: {  	_ =	shalt  }
0x47: {  	_ =	shalt  }
0x48: {  	_ =	shalt  }
0x49: {  	_ =	shalt  }
0x4a: {  	_ =	shalt  }
0x4b: {  	_ =	shalt  }
0x4c: {  	_ =	shalt  }
0x4d: {  	_ =	shalt  }
0x4e: {  	_ =	shalt  }
0x4f: {  	_ =	shalt  }
0x50: {  	_ =	shalt  }
0x51: {  	_ =	shalt  }
0x52: {  	_ =	shalt  }
0x53: {  	_ =	shalt  }
0x54: {  	_ =	shalt  }
0x55: {  	_ =	shalt  }
0x56: {  	_ =	shalt  }
0x57: {  	_ =	shalt  }
0x58: {  	_ =	shalt  }
0x59: {  	_ =	shalt  }
0x5a: {  	_ =	shalt  }
0x5b: {  	_ =	shalt  }
0x5c: {  	_ =	shalt  }
0x5d: {  	_ =	shalt  }
0x5e: {  	_ =	shalt  }
0x5f: {  	_ =	shalt  }
0x60: {  	_ =	shalt  }
0x61: {  	_ =	shalt  }
0x62: {  	_ =	shalt  }
0x63: {  	_ =	shalt  }
0x64: {  	_ =	shalt  }
0x65: {  	_ =	shalt  }
0x66: {  	_ =	shalt  }
0x67: {  	_ =	shalt  }
0x68: {  	_ =	shalt  }
0x69: {  	_ =	shalt  }
0x6a: {  	_ =	shalt  }
0x6b: {  	_ =	shalt  }
0x6c: {  	_ =	shalt  }
0x6d: {  	_ =	shalt  }
0x6e: {  	_ =	shalt  }
0x6f: {  	_ =	shalt  }
0x70: {  	_ =	shalt  }
0x71: {  	_ =	shalt  }
0x72: {  	_ =	shalt  }
0x73: {  	_ =	shalt  }
0x74: {  	_ =	shalt  }
0x75: {  	_ =	shalt  }
0x76: {  	_ =	shalt  }
0x77: {  	_ =	shalt  }
0x78: {  	_ =	shalt  }
0x79: {  	_ =	shalt  }
0x7a: {  	_ =	shalt  }
0x7b: {  	_ =	shalt  }
0x7c: {  	_ =	shalt  }
0x7d: {  	_ =	shalt  }
0x7e: {  	_ =	shalt  }
0x7f: {  	_ =	shalt  }
0x80: {  	_ =	shalt  }
0x81: {  	_ =	shalt  }
0x82: {  	_ =	shalt  }
0x83: {  	_ =	shalt  }
0x84: {  	_ =	shalt  }
0x85: {  	_ =	shalt  }
0x86: {  	_ =	shalt  }
0x87: {  	_ =	shalt  }
.Lfunc_end0:
.L_simem_size_0:
called_computation_lowered:
.L_overlay_start_0:
0x88: {  	s2 =	sld [smem:$0x3FD9]  }
0x89: {  	s3 =	sld [smem:$0x3FFE];
	_ =	sdelay $0x1  }
0x8a: {  	s1 =	srdreg.scid  }
0x8b: {  	s0 =	sand.u32 $0x1, s1  }
0x8c: {  	s17 =	sshll.u32 s0, $0xA;
	s2 =	sadd.s32 s3, s2  }
0x8d: {  	s2 =	sadd.s32 s2, s17  }
0x8e: {  	[smem:$0x3FC5] =	sst s2  }
0x8f: {  	_ = 	snop  }
0x90: {  	s2 =	sld [smem:$0x3FC9]  }
0x91: {  	s18 =	sld [smem:$0x3FD0];
	(tm) =	ssettm $0x1  }
0x92: {  	s4 =	sld [smem:$0x3FFB];
	_ =	sdelay $0x3  }
0x93: {  	_ =	strace s4  }
0x94: {  	s4 =	sld [smem:$0x3FFC];
	_ =	sdelay $0x3  }
0x95: {  	_ =	strace s4  }
0x96: {  	s4 =	sld [smem:$0x3FFD];
	_ =	sdelay $0x3  }
0x97: {  	_ =	strace s4  }
0x98: {  	_ =	strace $0x8FFFFFFF  }
0x99: {  	s19 =	sld [smem:$0x3FDB];
	_ =	sdelay $0x1  }
0x9a: {  	s5 =	simm.s32 $_scs_section_size  }
0x9b: {  	s6 =	simm.s32 $_size__tile_overlayer_lowered;
	s7 =	simm.s32 $_tile_overlayer_lowered  }
0x9c: {  	s22 =	simm.s32 $0x1BFF;
	s21 =	sshll.u32 s7, $0x1;
	s4 =	sadd.s32 s5, s19  }
0x9d: {  	s8 =	simm.s32 $0x0;
	s20 =	sshll.u32 s6, $0x1;
	s6 =	sadd.s32 s21, s4  }
0x9e: {  	[timem:s8], [sflag:s22] =	dma.local [hbm:s6], s20  }
0x9f: {  	_ =	swait.ge [sflag:s22], s20  }
0xa0: {  	s5 =	ssub.s32 $0x0, s20;
	[sflag:s22] =	ssyncset.done $0x0  }
0xa1: {  	[sflag:s22] =	ssyncadd.s32 s5;
	_ =	sdelay $0x1  }
0xa2: {  	s23 =	simm.s32 $0x1B8B  }
0xa3: {  	_ =	swait.ge [sflag:s23], $0x1  }
0xa4: {  	[sflag:s23] =	ssyncset.done $0x0  }
0xa5: {  	s25 =	simm.s32 $0x1B8E;
	s24 =	sld [smem:$0x3FFE];
	[sflag:s23] =	ssyncadd.s32 $0xFFFFFFFF  }
0xa6: {  	s26 =	simm.s32 $execute0_lowered;
	[smem:$0x3FD2] =	sst s25  }
0xa7: {  	s6 =	sshll.u32 s26, $0x1;
	_ =	strace $0x80000046;
	[dreg:$0x1] =	wrdreg $0xFFFFFFFF  }
0xa8: {  	s28 =	simm.s32 $_size_execute0_lowered;
	s4 =	sadd.s32 s4, s6;
	[dreg:$0x0] =	wrdreg $0x0  }
0xa9: {  	s6 =	sshll.u32 s28, $0x1;
	[dreg:$0x2] =	wrdreg s4  }
0xaa: {  	[dreg:$0x3] =	wrdreg s6  }
0xab: {  	[dreg:$0x4] =	wrdreg $0xC0  }
0xac: {  	_ =	task [dreg:s8], $0x5FFFF  }
0xad: {  	[dreg:$0x1] =	wrdreg $0xFFFFFFFF  }
0xae: {  	[dreg:$0x0] =	wrdreg $0x60  }
0xaf: {  	[dreg:$0x2] =	wrdreg s2  }
0xb0: {  	[dreg:$0x3] =	wrdreg s24  }
0xb1: {  	[dreg:$0x4] =	wrdreg s18  }
0xb2: {  	[dreg:$0x5] =	wrdreg $0x9  }
0xb3: {  	_ =	task.clear_ibuf [dreg:s8], $0x6FFFF;
	_ =	strace $0x90000046  }
0xb4: {  	s29 =	simm.s32 $0x9;
	_ =	strace $0x80000048  }
0xb5: {  	_ =	swait.ge [sflag:s29], $0x1  }
0xb6: {  	[sflag:s29] =	ssyncadd.s32 $0xFFFFFFFF  }
0xb7: {  	_ =	strace $0x90000048  }
0xb8: {  	_ =	sfence  }
0xb9: {  	s30 =	sld [smem:$0x0];
	_ =	sdelay $0x2  }
0xba: {  	s31 =	sshll.u32 s1, $0xD;
	s1 =	sshrl.u32 s1, $0x2  }
0xbb: {  	s3 =	sand.u32 $0x4000, s31;
	s1 =	sadd.s32 s1, s30  }
0xbc: {  	s0 =	sor.u32 s3, s0;
	s1 =	sshll.u32 s1, $0x11  }
0xbd: {  	s0 =	sor.u32 s1, s0  }
0xbe: {  	s0 =	sadd.s32 $0x8F2B, s0  }
0xbf: {  	[sflag:s0] =	ssyncadd.remote.s32 $0x1  }
0xc0: {  	_ =	sfence.sel $0xFFFF  }
0xc1: {  	[dreg:$0x0] =	wrdreg $0xFFFFFFFF;
	(pc) =	sbr.abs _section_cstart, $3  }
0xc2: {  	[dreg:$0x1] =	wrdreg $0xFFFFFFFF  }
0xc3: {  	_ =	task.clear_ibuf [dreg:s8], $0x2FFFF;
	_ =	strace $0x9FFFFFFF  }
0xc4: {  	(tm) =	ssettm $0x7FFFFFFF  }
0xc5: {  	_ =	shalt  }
tec
execute0_lowered:
.L_overlay_start_1:
0x0: {  	(tag) =	ssettag $0x1  }
0x1: {  	s1 =	rddreg [dreg:$0x0]  }
0x2: {  	s0 =	rddreg [dreg:$0x1]  }
0x3: {  	s3 =	rddreg [dreg:$0x2]  }
0x4: {  	s2 =	srdreg.scid;
	s4 =	simm.s32 $0x0;
	s5 =	stileid.u32  }
0x5: {  	s18 =	simm.s32 $0x100;
	s19 =	simm.s32 $0x2100;
	s20 =	simm.s32 $0x4100  }
0x6: {  	s21 =	simm.s32 $0x6100;
	s28 =	simm.s32 $0x3;
	s29 =	simm.s32 $0x7  }
0x7: {  	s30 =	simm.s32 $0xC100;
	s31 =	simm.s32 $0x4;
	s7 =	simm.s32 $0x0  }
0x8: {  	s2 =	sand.u32 $0x1, s2;
	[smem:$0x7FF] =	sst s4;
	s5 =	sshll.u32 s5, $0x12  }
0x9: {  	s22 =	sadd.s32 $0x400, s0;
	s0 =	sadd.s32 $0x600, s0;
	s6 =	sshll.u32 s2, $0x11  }
0xa: {  	_ =	strace $0x80000047;
	[dreg:$0x4] =	wrdreg s22;
	s2 =	ssub.s32 $0x2, s2  }
0xb: {  	[dreg:$0x5] =	wrdreg s0;
	s5 =	sor.u32 s6, s5;
	s24 =	sshrl.u32 s2, $0x1  }
0xc: {  	s22 =	simm.s32 $0x1;
	s23 =	sshrl.u32 s5, $0x3;
	s0 =	ssub.s32 s2, s24  }
0xd: {  	s11 =	sor.u32 $0x6000, s5;
	s12 =	sor.u32 $0x8000, s5;
	s13 =	sor.u32 $0xA000, s5  }
0xe: {  	s14 =	sor.u32 $0xC000, s5;
	s24 =	simm.s32 $0x2;
	s6 =	sadd.s32 s1, s23  }
0xf: {  	s2 =	simm.s32 $0xE100;
	s0 =	smax.u32 s0, $0x1;
	[dreg:$0x6] =	wrdreg s6  }
0x10: {  	s23 =	simm.s32 $0x8100;
	s25 =	sadd.s32 $0x400, s6;
	[dreg:$0x9] =	wrdreg s0  }
0x11: {  	s26 =	sadd.s32 $0x800, s6;
	s0 =	simm.s32 $0x8;
	[dreg:$0x7] =	wrdreg s25  }
0x12: {  	[dreg:$0x8] =	wrdreg s26;
	s25 =	simm.s32 $0x6;
	s26 =	simm.s32 $0xA100  }
.LBB2_1:
0x13: {  	[dreg:$0xa] =	wrdreg s7  }
0x14: {  	s6 =	rddreg [dreg:$0x4];
	s9 =	simm.s32 $0x9  }
0x15: {  	[tilespmem:s4], [sflag:$0x9] =	stream.linear.gather [hbm4b:s6+s4], $0x80, $0x38;
	[tilespmem:$0x10100] =	vst v63  }
0x16: {  	_ =	swait.ge [sflag:s9], $0x80  }
0x17: {  	[sflag:s9] =	ssyncset.done $0x0  }
0x18: {  	s8 =	simm.s32 $0x80;
	s10 =	rddreg [dreg:$0x5];
	[sflag:s9] =	ssyncadd.s32 $0xFFFFFF80  }
0x19: {  	[tilespmem:s8], [sflag:$0x9] =	stream.linear.gather [hbm4b:s10+s4], $0x80, $0x38;
	[tilespmem:$0x10100] =	vst v63  }
0x1a: {  	_ =	swait.ge [sflag:s9], $0x80  }
0x1b: {  	[sflag:s9] =	ssyncset.done $0x0  }
0x1c: {  	[sflag:s9] =	ssyncadd.s32 $0xFFFFFF80  }
0x1d: {  	s15 =	rddreg [dreg:$0x6];
	v0 =	vld [tilespmem:$0x0]  }
0x1e: {  	v1 =	vld [tilespmem:$0x80];
	[tilespmem:s18], [sflag:$0x1] =	stream.linear.gather [hbm4b:s15+s4], $0x2000, $0x38  }
0x1f: {  	s16 =	rddreg [dreg:$0x7]  }
0x20: {  	[tilespmem:s19], [sflag:$0x2] =	stream.linear.gather [hbm4b:s16+s4], $0x2000, $0x38;
	[tilespmem:$0x10100] =	vst v63  }
0x21: {  	s7 =	simm.s32 $0x0;
	s17 =	rddreg [dreg:$0x8]  }
0x22: {  	[tilespmem:s20], [sflag:$0x3] =	stream.linear.gather [hbm4b:s17+s4], $0x2000, $0x38;
	[tilespmem:$0x10100] =	vst v63  }
.LBB2_2:
0x23: {  	s10 =	sshll.u32 s7, $0xF  }
0x24: {  	s6 =	sadd.s32 s11, s10  }
0x25: {  	s9 =	sshrl.u32 s6, $0x3  }
0x26: {  	s6 =	sadd.s32 s1, s9  }
0x27: {  	[tilespmem:s21], [sflag:$0x4] =	stream.linear.gather [hbm4b:s6+s4], $0x2000, $0x38;
	[tilespmem:$0x10100] =	vst v63  }
0x28: {  	_ =	swait.ge [sflag:s22], $0x2000  }
0x29: {  	p0 =	seq.s32 s7, $0x0;
	[sflag:s22] =	ssyncset.done $0x0  }
0x2a: {  	s6 =	simm.s32 @!p0 $0x5;
	[sflag:s22] =	ssyncadd.s32 $0xFFFFE000  }
0x2b: {  	_ =	swait.ge @!p0 [sflag:s6], $0x2000  }
0x2c: {  	[sflag:s6] =	ssyncset.done @!p0 $0x0  }
0x2d: {  	s8 =	simm.s32 $0x0;
	[sflag:s6] =	ssyncadd.s32 @!p0 $0xFFFFE000  }
0x2e: {  	v2 =	vld [tilespmem:s8+$0x170]  }
0x2f: {  	v3 =	vld [tilespmem:s8+$0x100]  }
0x30: {  	v4 =	vld [tilespmem:s8+$0x110]  }
0x31: {  	v5 =	vld [tilespmem:s8+$0x120]  }
0x32: {  	v6 =	vld [tilespmem:s8+$0x130]  }
0x33: {  	v7 =	vld [tilespmem:s8+$0x140];
	v2 =	vmul.f32 v2, v0  }
0x34: {  	v8 =	vld [tilespmem:s8+$0x150];
	v3 =	vmul.f32 v3, v0  }
0x35: {  	s15 =	simm.s32 $0x80;
	v9 =	vld [tilespmem:s8+$0x160];
	v4 =	vmul.f32 v4, v0;
	v2 =	vadd.f32 v2, v1  }
0x36: {  	v10 =	vld [tilespmem:s15+$0x170];
	v3 =	vadd.f32 v3, v1  }
0x37: {  	v11 =	vld [tilespmem:s15+$0x100];
	v4 =	vadd.f32 v4, v1;
	[tilespmem:s8+$0x8170] =	vst v2;
	v2 =	vmul.f32 v5, v0  }
0x38: {  	v6 =	vmul.f32 v6, v0;
	v12 =	vld [tilespmem:s15+$0x110];
	[tilespmem:s8+$0x8100] =	vst v3  }
0x39: {  	v5 =	vld [tilespmem:s15+$0x120];
	v2 =	vadd.f32 v2, v1;
	[tilespmem:s8+$0x8110] =	vst v4;
	v4 =	vmul.f32 v7, v0  }
0x3a: {  	v6 =	vadd.f32 v6, v1;
	v7 =	vmul.f32 v8, v0  }
0x3b: {  	v9 =	vmul.f32 v9, v0;
	v3 =	vld [tilespmem:s15+$0x130];
	[tilespmem:s8+$0x8120] =	vst v2;
	v8 =	vadd.f32 v4, v1  }
0x3c: {  	v10 =	vmul.f32 v10, v0;
	v13 =	vadd.f32 v7, v1;
	v2 =	vld [tilespmem:s15+$0x140];
	[tilespmem:s8+$0x8130] =	vst v6  }
0x3d: {  	v9 =	vadd.f32 v9, v1;
	v7 =	vmul.f32 v11, v0;
	v4 =	vld [tilespmem:s15+$0x150];
	[tilespmem:s8+$0x8140] =	vst v8  }
0x3e: {  	s17 =	simm.s32 $0x100;
	s16 =	simm.s32 $0x600;
	v10 =	vadd.f32 v10, v1;
	v8 =	vmul.f32 v12, v0;
	v6 =	vld [tilespmem:s15+$0x160];
	[tilespmem:s8+$0x8150] =	vst v13  }
.LBB2_3:
0x3f: {  	p1 =	sne.s32 s16, $0x7E00;
	v11 =	vld [tilespmem:s17+$0x170];
	v7 =	vadd.f32 v7, v1;
	v5 =	vmul.f32 v5, v0;
	[tilespmem:s8+$0x8160] =	vst v9;
	s8 =	smov.u32 s15;
	s15 =	smov.u32 s17  }
0x40: {  	v9 =	vld [tilespmem:s15+$0x100];
	v8 =	vadd.f32 v8, v1;
	v3 =	vmul.f32 v3, v0;
	[tilespmem:s8+$0x8170] =	vst v10  }
0x41: {  	v10 =	vld [tilespmem:s15+$0x110];
	[tilespmem:s8+$0x8100] =	vst v7;
	v7 =	vadd.f32 v5, v1;
	v2 =	vmul.f32 v2, v0  }
.Ltmp0:
0x42: {  	v5 =	vld [tilespmem:s15+$0x120];
	[tilespmem:s8+$0x8110] =	vst v8;
	v8 =	vadd.f32 v3, v1;
	v4 =	vmul.f32 v4, v0;
	(pc) =	sbr.rel @p1 .LBB2_3-.Ltmp0, $4  }
0x43: {  	v3 =	vld [tilespmem:s15+$0x130];
	[tilespmem:s8+$0x8120] =	vst v7;
	v12 =	vadd.f32 v2, v1;
	v6 =	vmul.f32 v6, v0  }
0x44: {  	v2 =	vld [tilespmem:s15+$0x140];
	v11 =	vmul.f32 v11, v0;
	[tilespmem:s8+$0x8130] =	vst v8;
	v13 =	vadd.f32 v4, v1  }
0x45: {  	v7 =	vmul.f32 v9, v0;
	v4 =	vld [tilespmem:s15+$0x150];
	[tilespmem:s8+$0x8140] =	vst v12;
	v9 =	vadd.f32 v6, v1  }
0x46: {  	s17 =	sshra.s32 s16, $0x2;
	s16 =	sadd.s32 $0x200, s16;
	v8 =	vmul.f32 v10, v0;
	v6 =	vld [tilespmem:s15+$0x160];
	v10 =	vadd.f32 v11, v1;
	[tilespmem:s8+$0x8150] =	vst v13  }
0x47: {  	v11 =	vld [tilespmem:s17+$0x170];
	[tilespmem:s8+$0x8160] =	vst v9;
	v7 =	vadd.f32 v7, v1;
	v5 =	vmul.f32 v5, v0  }
0x48: {  	v9 =	vld [tilespmem:s17+$0x100];
	[tilespmem:s15+$0x8170] =	vst v10;
	v8 =	vadd.f32 v8, v1;
	v3 =	vmul.f32 v3, v0  }
0x49: {  	v10 =	vld [tilespmem:s17+$0x110];
	[tilespmem:s15+$0x8100] =	vst v7;
	v5 =	vadd.f32 v5, v1  }
0x4a: {  	v2 =	vmul.f32 v2, v0;
	v7 =	vld [tilespmem:s17+$0x120];
	[tilespmem:s15+$0x8110] =	vst v8;
	v3 =	vadd.f32 v3, v1  }
0x4b: {  	v4 =	vmul.f32 v4, v0;
	v8 =	vld [tilespmem:s17+$0x130];
	[tilespmem:s15+$0x8120] =	vst v5  }
0x4c: {  	v2 =	vadd.f32 v2, v1;
	v5 =	vld [tilespmem:s17+$0x140];
	[tilespmem:s15+$0x8130] =	vst v3;
	v3 =	vmul.f32 v6, v0  }
0x4d: {  	v11 =	vmul.f32 v11, v0;
	v4 =	vadd.f32 v4, v1  }
0x4e: {  	v57 =	vld [tilespmem:s17+$0x150];
	[tilespmem:s15+$0x8140] =	vst v2;
	v2 =	vmul.f32 v9, v0;
	v3 =	vadd.f32 v3, v1  }
0x4f: {  	v58 =	vld [tilespmem:s17+$0x160];
	v10 =	vmul.f32 v10, v0;
	v11 =	vadd.f32 v11, v1;
	[tilespmem:s15+$0x8150] =	vst v4  }
0x50: {  	v2 =	vadd.f32 v2, v1;
	v59 =	vmul.f32 v7, v0;
	[tilespmem:s15+$0x8160] =	vst v3  }
0x51: {  	v3 =	vadd.f32 v10, v1;
	v60 =	vmul.f32 v8, v0;
	[tilespmem:s17+$0x8170] =	vst v11  }
0x52: {  	[tilespmem:s17+$0x8100] =	vst v2;
	v2 =	vadd.f32 v59, v1;
	v61 =	vmul.f32 v5, v0  }
0x53: {  	[tilespmem:s17+$0x8110] =	vst v3;
	v3 =	vadd.f32 v60, v1;
	v62 =	vmul.f32 v57, v0  }
0x54: {  	p1 =	sne.s32 s7, $0x3;
	[tilespmem:s17+$0x8120] =	vst v2;
	v2 =	vadd.f32 v61, v1;
	v63 =	vmul.f32 v58, v0  }
.Ltmp1:
0x55: {  	[tilespmem:s17+$0x8130] =	vst v3;
	v3 =	vadd.f32 v62, v1;
	(pc) =	sbr.rel @p1 .LBB2_6-.Ltmp1, $4  }
0x56: {  	s6 =	sor.u32 s5, s10;
	[tilespmem:s17+$0x8140] =	vst v2;
	v2 =	vadd.f32 v63, v1  }
0x57: {  	s15 =	sshrl.u32 s6, $0x3;
	[tilespmem:s17+$0x8150] =	vst v3  }
0x58: {  	s6 =	sadd.s32 s3, s15;
	[tilespmem:s17+$0x8160] =	vst v2  }
0x59: {  	[hbm4b:s6+s4] =	stream.linear.scatter [tilespmem:s23], [sflag:$0x5], $0x2000, $0x38;
	[tilespmem:$0x10100] =	vst v63  }
.Ltmp2:
0x5a: {  	(pc) =	sbr.rel .LBB2_7-.Ltmp2, $4  }
0x5b: {  	_ = 	snop  }
0x5c: {  	_ =	swait.ge [sflag:s24], $0x2000  }
0x5d: {  	[sflag:s24] =	ssyncset.done $0x0  }
0x5e: {  	[sflag:s24] =	ssyncadd.s32 $0xFFFFE000  }
.LBB2_6:
0x5f: {  	s6 =	sadd.s32 s10, s12  }
0x60: {  	s6 =	sshrl.u32 s6, $0x3  }
.Ltmp3:
0x61: {  	s6 =	sadd.s32 s1, s6;
	(pc) =	sbr.rel @p0 .LBB2_8-.Ltmp3, $4  }
0x62: {  	[tilespmem:s18], [sflag:$0x1] =	stream.linear.gather [hbm4b:s6+s4], $0x2000, $0x38;
	[tilespmem:$0x10100] =	vst v63  }
0x63: {  	_ =	swait.ge [sflag:s24], $0x2000  }
0x64: {  	[sflag:s24] =	ssyncset.done $0x0  }
0x65: {  	[sflag:s24] =	ssyncadd.s32 $0xFFFFE000  }
.LBB2_7:
0x66: {  	_ =	swait.ge [sflag:s25], $0x2000  }
0x67: {  	[sflag:s25] =	ssyncset.done $0x0  }
0x68: {  	[sflag:s25] =	ssyncadd.s32 $0xFFFFE000  }
.LBB2_8:
0x69: {  	s17 =	simm.s32 $0x0  }
0x6a: {  	v2 =	vld [tilespmem:s17+$0x2170]  }
0x6b: {  	v3 =	vld [tilespmem:s17+$0x2100]  }
0x6c: {  	v4 =	vld [tilespmem:s17+$0x2110]  }
0x6d: {  	v5 =	vld [tilespmem:s17+$0x2120]  }
0x6e: {  	v6 =	vld [tilespmem:s17+$0x2130]  }
0x6f: {  	v7 =	vld [tilespmem:s17+$0x2140];
	v2 =	vmul.f32 v2, v0  }
0x70: {  	v8 =	vld [tilespmem:s17+$0x2150];
	v3 =	vmul.f32 v3, v0  }
0x71: {  	s8 =	simm.s32 $0x80;
	v9 =	vld [tilespmem:s17+$0x2160];
	v4 =	vmul.f32 v4, v0;
	v2 =	vadd.f32 v2, v1  }
0x72: {  	v10 =	vld [tilespmem:s8+$0x2170];
	v3 =	vadd.f32 v3, v1  }
0x73: {  	v11 =	vld [tilespmem:s8+$0x2100];
	v4 =	vadd.f32 v4, v1;
	[tilespmem:s17+$0xA170] =	vst v2;
	v2 =	vmul.f32 v5, v0  }
0x74: {  	v6 =	vmul.f32 v6, v0;
	v12 =	vld [tilespmem:s8+$0x2110];
	[tilespmem:s17+$0xA100] =	vst v3  }
0x75: {  	v5 =	vld [tilespmem:s8+$0x2120];
	v2 =	vadd.f32 v2, v1;
	[tilespmem:s17+$0xA110] =	vst v4;
	v4 =	vmul.f32 v7, v0  }
0x76: {  	v6 =	vadd.f32 v6, v1;
	v7 =	vmul.f32 v8, v0  }
0x77: {  	v9 =	vmul.f32 v9, v0;
	v3 =	vld [tilespmem:s8+$0x2130];
	[tilespmem:s17+$0xA120] =	vst v2;
	v8 =	vadd.f32 v4, v1  }
0x78: {  	v10 =	vmul.f32 v10, v0;
	v13 =	vadd.f32 v7, v1;
	v2 =	vld [tilespmem:s8+$0x2140];
	[tilespmem:s17+$0xA130] =	vst v6  }
0x79: {  	v9 =	vadd.f32 v9, v1;
	v7 =	vmul.f32 v11, v0;
	v4 =	vld [tilespmem:s8+$0x2150];
	[tilespmem:s17+$0xA140] =	vst v8  }
0x7a: {  	s16 =	simm.s32 $0x100;
	s6 =	simm.s32 $0x600;
	v10 =	vadd.f32 v10, v1;
	v8 =	vmul.f32 v12, v0;
	v6 =	vld [tilespmem:s8+$0x2160];
	[tilespmem:s17+$0xA150] =	vst v13  }
.LBB2_9:
0x7b: {  	p2 =	sne.s32 s6, $0x7E00;
	v11 =	vld [tilespmem:s16+$0x2170];
	v7 =	vadd.f32 v7, v1;
	v5 =	vmul.f32 v5, v0;
	[tilespmem:s17+$0xA160] =	vst v9;
	s17 =	smov.u32 s8;
	s8 =	smov.u32 s16  }
0x7c: {  	v9 =	vld [tilespmem:s8+$0x2100];
	v8 =	vadd.f32 v8, v1;
	v3 =	vmul.f32 v3, v0;
	[tilespmem:s17+$0xA170] =	vst v10  }
0x7d: {  	v10 =	vld [tilespmem:s8+$0x2110];
	[tilespmem:s17+$0xA100] =	vst v7;
	v7 =	vadd.f32 v5, v1;
	v2 =	vmul.f32 v2, v0  }
.Ltmp4:
0x7e: {  	v5 =	vld [tilespmem:s8+$0x2120];
	[tilespmem:s17+$0xA110] =	vst v8;
	v8 =	vadd.f32 v3, v1;
	v4 =	vmul.f32 v4, v0;
	(pc) =	sbr.rel @p2 .LBB2_9-.Ltmp4, $4  }
0x7f: {  	v3 =	vld [tilespmem:s8+$0x2130];
	[tilespmem:s17+$0xA120] =	vst v7;
	v12 =	vadd.f32 v2, v1;
	v6 =	vmul.f32 v6, v0  }
0x80: {  	v2 =	vld [tilespmem:s8+$0x2140];
	v11 =	vmul.f32 v11, v0;
	[tilespmem:s17+$0xA130] =	vst v8;
	v13 =	vadd.f32 v4, v1  }
0x81: {  	v7 =	vmul.f32 v9, v0;
	v4 =	vld [tilespmem:s8+$0x2150];
	[tilespmem:s17+$0xA140] =	vst v12;
	v9 =	vadd.f32 v6, v1  }
0x82: {  	s16 =	sshra.s32 s6, $0x2;
	s6 =	sadd.s32 $0x200, s6;
	v8 =	vmul.f32 v10, v0;
	v6 =	vld [tilespmem:s8+$0x2160];
	v10 =	vadd.f32 v11, v1;
	[tilespmem:s17+$0xA150] =	vst v13  }
0x83: {  	v11 =	vld [tilespmem:s16+$0x2170];
	[tilespmem:s17+$0xA160] =	vst v9;
	v7 =	vadd.f32 v7, v1;
	v5 =	vmul.f32 v5, v0  }
0x84: {  	v9 =	vld [tilespmem:s16+$0x2100];
	[tilespmem:s8+$0xA170] =	vst v10;
	v8 =	vadd.f32 v8, v1;
	v3 =	vmul.f32 v3, v0  }
0x85: {  	v10 =	vld [tilespmem:s16+$0x2110];
	[tilespmem:s8+$0xA100] =	vst v7;
	v5 =	vadd.f32 v5, v1  }
0x86: {  	v2 =	vmul.f32 v2, v0;
	v7 =	vld [tilespmem:s16+$0x2120];
	[tilespmem:s8+$0xA110] =	vst v8;
	v3 =	vadd.f32 v3, v1  }
0x87: {  	v4 =	vmul.f32 v4, v0;
	v8 =	vld [tilespmem:s16+$0x2130];
	[tilespmem:s8+$0xA120] =	vst v5  }
0x88: {  	v2 =	vadd.f32 v2, v1;
	v5 =	vld [tilespmem:s16+$0x2140];
	[tilespmem:s8+$0xA130] =	vst v3;
	v3 =	vmul.f32 v6, v0  }
0x89: {  	v11 =	vmul.f32 v11, v0;
	v4 =	vadd.f32 v4, v1  }
0x8a: {  	v57 =	vld [tilespmem:s16+$0x2150];
	[tilespmem:s8+$0xA140] =	vst v2;
	v2 =	vmul.f32 v9, v0;
	v3 =	vadd.f32 v3, v1  }
0x8b: {  	v58 =	vld [tilespmem:s16+$0x2160];
	v10 =	vmul.f32 v10, v0;
	v11 =	vadd.f32 v11, v1;
	[tilespmem:s8+$0xA150] =	vst v4  }
0x8c: {  	v2 =	vadd.f32 v2, v1;
	v59 =	vmul.f32 v7, v0;
	[tilespmem:s8+$0xA160] =	vst v3  }
0x8d: {  	v3 =	vadd.f32 v10, v1;
	v60 =	vmul.f32 v8, v0;
	[tilespmem:s16+$0xA170] =	vst v11  }
0x8e: {  	[tilespmem:s16+$0xA100] =	vst v2;
	v2 =	vadd.f32 v59, v1;
	v61 =	vmul.f32 v5, v0  }
0x8f: {  	[tilespmem:s16+$0xA110] =	vst v3;
	v3 =	vadd.f32 v60, v1;
	v62 =	vmul.f32 v57, v0  }
0x90: {  	[tilespmem:s16+$0xA120] =	vst v2;
	v2 =	vadd.f32 v61, v1;
	v63 =	vmul.f32 v58, v0  }
.Ltmp5:
0x91: {  	[tilespmem:s16+$0xA130] =	vst v3;
	v3 =	vadd.f32 v62, v1;
	(pc) =	sbr.rel @p1 .LBB2_12-.Ltmp5, $4  }
0x92: {  	[tilespmem:s16+$0xA140] =	vst v2;
	v2 =	vadd.f32 v63, v1  }
0x93: {  	s15 =	sadd.s32 s15, s3;
	[tilespmem:s16+$0xA150] =	vst v3  }
0x94: {  	s6 =	sadd.s32 $0x400, s15;
	[tilespmem:s16+$0xA160] =	vst v2  }
0x95: {  	[hbm4b:s6+s4] =	stream.linear.scatter [tilespmem:s26], [sflag:$0x6], $0x2000, $0x38;
	[tilespmem:$0x10100] =	vst v63  }
.Ltmp6:
0x96: {  	(pc) =	sbr.rel .LBB2_13-.Ltmp6, $4  }
0x97: {  	_ = 	snop  }
0x98: {  	_ =	swait.ge [sflag:s28], $0x2000  }
0x99: {  	[sflag:s28] =	ssyncset.done $0x0  }
0x9a: {  	[sflag:s28] =	ssyncadd.s32 $0xFFFFE000  }
.LBB2_12:
0x9b: {  	s6 =	sadd.s32 s10, s13  }
0x9c: {  	s6 =	sshrl.u32 s6, $0x3  }
.Ltmp7:
0x9d: {  	s6 =	sadd.s32 s1, s6;
	(pc) =	sbr.rel @p0 .LBB2_14-.Ltmp7, $4  }
0x9e: {  	[tilespmem:s19], [sflag:$0x2] =	stream.linear.gather [hbm4b:s6+s4], $0x2000, $0x38;
	[tilespmem:$0x10100] =	vst v63  }
0x9f: {  	_ =	swait.ge [sflag:s28], $0x2000  }
0xa0: {  	[sflag:s28] =	ssyncset.done $0x0  }
0xa1: {  	[sflag:s28] =	ssyncadd.s32 $0xFFFFE000  }
.LBB2_13:
0xa2: {  	_ =	swait.ge [sflag:s29], $0x2000  }
0xa3: {  	[sflag:s29] =	ssyncset.done $0x0  }
0xa4: {  	[sflag:s29] =	ssyncadd.s32 $0xFFFFE000  }
.LBB2_14:
0xa5: {  	s17 =	simm.s32 $0x0  }
0xa6: {  	v2 =	vld [tilespmem:s17+$0x4170]  }
0xa7: {  	v3 =	vld [tilespmem:s17+$0x4100]  }
0xa8: {  	v4 =	vld [tilespmem:s17+$0x4110]  }
0xa9: {  	v5 =	vld [tilespmem:s17+$0x4120]  }
0xaa: {  	v6 =	vld [tilespmem:s17+$0x4130]  }
0xab: {  	v7 =	vld [tilespmem:s17+$0x4140];
	v2 =	vmul.f32 v2, v0  }
0xac: {  	v8 =	vld [tilespmem:s17+$0x4150];
	v3 =	vmul.f32 v3, v0  }
0xad: {  	s8 =	simm.s32 $0x80;
	v9 =	vld [tilespmem:s17+$0x4160];
	v4 =	vmul.f32 v4, v0;
	v2 =	vadd.f32 v2, v1  }
0xae: {  	v10 =	vld [tilespmem:s8+$0x4170];
	v3 =	vadd.f32 v3, v1  }
0xaf: {  	v11 =	vld [tilespmem:s8+$0x4100];
	v4 =	vadd.f32 v4, v1;
	[tilespmem:s17+$0xC170] =	vst v2;
	v2 =	vmul.f32 v5, v0  }
0xb0: {  	v6 =	vmul.f32 v6, v0;
	v12 =	vld [tilespmem:s8+$0x4110];
	[tilespmem:s17+$0xC100] =	vst v3  }
0xb1: {  	v5 =	vld [tilespmem:s8+$0x4120];
	v2 =	vadd.f32 v2, v1;
	[tilespmem:s17+$0xC110] =	vst v4;
	v4 =	vmul.f32 v7, v0  }
0xb2: {  	v6 =	vadd.f32 v6, v1;
	v7 =	vmul.f32 v8, v0  }
0xb3: {  	v9 =	vmul.f32 v9, v0;
	v3 =	vld [tilespmem:s8+$0x4130];
	[tilespmem:s17+$0xC120] =	vst v2;
	v8 =	vadd.f32 v4, v1  }
0xb4: {  	v10 =	vmul.f32 v10, v0;
	v13 =	vadd.f32 v7, v1;
	v2 =	vld [tilespmem:s8+$0x4140];
	[tilespmem:s17+$0xC130] =	vst v6  }
0xb5: {  	v9 =	vadd.f32 v9, v1;
	v7 =	vmul.f32 v11, v0;
	v4 =	vld [tilespmem:s8+$0x4150];
	[tilespmem:s17+$0xC140] =	vst v8  }
0xb6: {  	s16 =	simm.s32 $0x100;
	s6 =	simm.s32 $0x600;
	v10 =	vadd.f32 v10, v1;
	v8 =	vmul.f32 v12, v0;
	v6 =	vld [tilespmem:s8+$0x4160];
	[tilespmem:s17+$0xC150] =	vst v13  }
.LBB2_15:
0xb7: {  	p2 =	sne.s32 s6, $0x7E00;
	v11 =	vld [tilespmem:s16+$0x4170];
	v7 =	vadd.f32 v7, v1;
	v5 =	vmul.f32 v5, v0;
	[tilespmem:s17+$0xC160] =	vst v9;
	s17 =	smov.u32 s8;
	s8 =	smov.u32 s16  }
0xb8: {  	v9 =	vld [tilespmem:s8+$0x4100];
	v8 =	vadd.f32 v8, v1;
	v3 =	vmul.f32 v3, v0;
	[tilespmem:s17+$0xC170] =	vst v10  }
0xb9: {  	v10 =	vld [tilespmem:s8+$0x4110];
	[tilespmem:s17+$0xC100] =	vst v7;
	v7 =	vadd.f32 v5, v1;
	v2 =	vmul.f32 v2, v0  }
.Ltmp8:
0xba: {  	v5 =	vld [tilespmem:s8+$0x4120];
	[tilespmem:s17+$0xC110] =	vst v8;
	v8 =	vadd.f32 v3, v1;
	v4 =	vmul.f32 v4, v0;
	(pc) =	sbr.rel @p2 .LBB2_15-.Ltmp8, $4  }
0xbb: {  	v3 =	vld [tilespmem:s8+$0x4130];
	[tilespmem:s17+$0xC120] =	vst v7;
	v12 =	vadd.f32 v2, v1;
	v6 =	vmul.f32 v6, v0  }
0xbc: {  	v2 =	vld [tilespmem:s8+$0x4140];
	v11 =	vmul.f32 v11, v0;
	[tilespmem:s17+$0xC130] =	vst v8;
	v13 =	vadd.f32 v4, v1  }
0xbd: {  	v7 =	vmul.f32 v9, v0;
	v4 =	vld [tilespmem:s8+$0x4150];
	[tilespmem:s17+$0xC140] =	vst v12;
	v9 =	vadd.f32 v6, v1  }
0xbe: {  	s16 =	sshra.s32 s6, $0x2;
	s6 =	sadd.s32 $0x200, s6;
	v8 =	vmul.f32 v10, v0;
	v6 =	vld [tilespmem:s8+$0x4160];
	v10 =	vadd.f32 v11, v1;
	[tilespmem:s17+$0xC150] =	vst v13  }
0xbf: {  	v11 =	vld [tilespmem:s16+$0x4170];
	[tilespmem:s17+$0xC160] =	vst v9;
	v7 =	vadd.f32 v7, v1;
	v5 =	vmul.f32 v5, v0  }
0xc0: {  	v9 =	vld [tilespmem:s16+$0x4100];
	[tilespmem:s8+$0xC170] =	vst v10;
	v8 =	vadd.f32 v8, v1;
	v3 =	vmul.f32 v3, v0  }
0xc1: {  	v10 =	vld [tilespmem:s16+$0x4110];
	[tilespmem:s8+$0xC100] =	vst v7;
	v5 =	vadd.f32 v5, v1  }
0xc2: {  	v2 =	vmul.f32 v2, v0;
	v7 =	vld [tilespmem:s16+$0x4120];
	[tilespmem:s8+$0xC110] =	vst v8;
	v3 =	vadd.f32 v3, v1  }
0xc3: {  	v4 =	vmul.f32 v4, v0;
	v8 =	vld [tilespmem:s16+$0x4130];
	[tilespmem:s8+$0xC120] =	vst v5  }
0xc4: {  	v2 =	vadd.f32 v2, v1;
	v5 =	vld [tilespmem:s16+$0x4140];
	[tilespmem:s8+$0xC130] =	vst v3;
	v3 =	vmul.f32 v6, v0  }
0xc5: {  	v11 =	vmul.f32 v11, v0;
	v4 =	vadd.f32 v4, v1  }
0xc6: {  	v57 =	vld [tilespmem:s16+$0x4150];
	[tilespmem:s8+$0xC140] =	vst v2;
	v2 =	vmul.f32 v9, v0;
	v3 =	vadd.f32 v3, v1  }
0xc7: {  	v58 =	vld [tilespmem:s16+$0x4160];
	v10 =	vmul.f32 v10, v0;
	v11 =	vadd.f32 v11, v1;
	[tilespmem:s8+$0xC150] =	vst v4  }
0xc8: {  	v2 =	vadd.f32 v2, v1;
	v59 =	vmul.f32 v7, v0;
	[tilespmem:s8+$0xC160] =	vst v3  }
0xc9: {  	v3 =	vadd.f32 v10, v1;
	v60 =	vmul.f32 v8, v0;
	[tilespmem:s16+$0xC170] =	vst v11  }
0xca: {  	[tilespmem:s16+$0xC100] =	vst v2;
	v2 =	vadd.f32 v59, v1;
	v61 =	vmul.f32 v5, v0  }
0xcb: {  	[tilespmem:s16+$0xC110] =	vst v3;
	v3 =	vadd.f32 v60, v1;
	v62 =	vmul.f32 v57, v0  }
0xcc: {  	[tilespmem:s16+$0xC120] =	vst v2;
	v2 =	vadd.f32 v61, v1;
	v63 =	vmul.f32 v58, v0  }
.Ltmp9:
0xcd: {  	[tilespmem:s16+$0xC130] =	vst v3;
	v3 =	vadd.f32 v62, v1;
	(pc) =	sbr.rel @p1 .LBB2_18-.Ltmp9, $4  }
0xce: {  	[tilespmem:s16+$0xC140] =	vst v2;
	v2 =	vadd.f32 v63, v1  }
0xcf: {  	[tilespmem:s16+$0xC150] =	vst v3  }
0xd0: {  	s6 =	sadd.s32 $0x800, s15;
	[tilespmem:s16+$0xC160] =	vst v2  }
0xd1: {  	[hbm4b:s6+s4] =	stream.linear.scatter [tilespmem:s30], [sflag:$0x7], $0x2000, $0x38;
	[tilespmem:$0x10100] =	vst v63  }
.Ltmp10:
0xd2: {  	(pc) =	sbr.rel .LBB2_19-.Ltmp10, $4  }
0xd3: {  	_ = 	snop  }
0xd4: {  	_ =	swait.ge [sflag:s31], $0x2000  }
0xd5: {  	[sflag:s31] =	ssyncset.done $0x0  }
0xd6: {  	[sflag:s31] =	ssyncadd.s32 $0xFFFFE000  }
.LBB2_18:
0xd7: {  	s6 =	sadd.s32 s10, s14  }
0xd8: {  	s6 =	sshrl.u32 s6, $0x3  }
.Ltmp11:
0xd9: {  	s6 =	sadd.s32 s1, s6;
	(pc) =	sbr.rel @p0 .LBB2_20-.Ltmp11, $4  }
0xda: {  	[tilespmem:s20], [sflag:$0x3] =	stream.linear.gather [hbm4b:s6+s4], $0x2000, $0x38;
	[tilespmem:$0x10100] =	vst v63  }
0xdb: {  	_ =	swait.ge [sflag:s31], $0x2000  }
0xdc: {  	[sflag:s31] =	ssyncset.done $0x0  }
0xdd: {  	[sflag:s31] =	ssyncadd.s32 $0xFFFFE000  }
.LBB2_19:
0xde: {  	_ =	swait.ge [sflag:s0], $0x2000  }
0xdf: {  	[sflag:s0] =	ssyncset.done $0x0  }
0xe0: {  	[sflag:s0] =	ssyncadd.s32 $0xFFFFE000  }
.LBB2_20:
0xe1: {  	s10 =	simm.s32 $0x0  }
0xe2: {  	v2 =	vld [tilespmem:s10+$0x6170]  }
0xe3: {  	v3 =	vld [tilespmem:s10+$0x6100]  }
0xe4: {  	v4 =	vld [tilespmem:s10+$0x6110]  }
0xe5: {  	v5 =	vld [tilespmem:s10+$0x6120]  }
0xe6: {  	v6 =	vld [tilespmem:s10+$0x6130]  }
0xe7: {  	v7 =	vld [tilespmem:s10+$0x6140];
	v2 =	vmul.f32 v2, v0  }
0xe8: {  	v8 =	vld [tilespmem:s10+$0x6150];
	v3 =	vmul.f32 v3, v0  }
0xe9: {  	s8 =	simm.s32 $0x80;
	v9 =	vld [tilespmem:s10+$0x6160];
	v4 =	vmul.f32 v4, v0;
	v2 =	vadd.f32 v2, v1  }
0xea: {  	v10 =	vld [tilespmem:s8+$0x6170];
	v3 =	vadd.f32 v3, v1  }
0xeb: {  	v11 =	vld [tilespmem:s8+$0x6100];
	v4 =	vadd.f32 v4, v1;
	[tilespmem:s10+$0xE170] =	vst v2;
	v2 =	vmul.f32 v5, v0  }
0xec: {  	v6 =	vmul.f32 v6, v0;
	v12 =	vld [tilespmem:s8+$0x6110];
	[tilespmem:s10+$0xE100] =	vst v3  }
0xed: {  	v5 =	vld [tilespmem:s8+$0x6120];
	v2 =	vadd.f32 v2, v1;
	[tilespmem:s10+$0xE110] =	vst v4;
	v4 =	vmul.f32 v7, v0  }
0xee: {  	v6 =	vadd.f32 v6, v1;
	v7 =	vmul.f32 v8, v0  }
0xef: {  	v9 =	vmul.f32 v9, v0;
	v3 =	vld [tilespmem:s8+$0x6130];
	[tilespmem:s10+$0xE120] =	vst v2;
	v8 =	vadd.f32 v4, v1  }
0xf0: {  	v10 =	vmul.f32 v10, v0;
	v13 =	vadd.f32 v7, v1;
	v2 =	vld [tilespmem:s8+$0x6140];
	[tilespmem:s10+$0xE130] =	vst v6  }
0xf1: {  	v9 =	vadd.f32 v9, v1;
	v7 =	vmul.f32 v11, v0;
	v4 =	vld [tilespmem:s8+$0x6150];
	[tilespmem:s10+$0xE140] =	vst v8  }
0xf2: {  	s15 =	simm.s32 $0x100;
	s6 =	simm.s32 $0x600;
	v10 =	vadd.f32 v10, v1;
	v8 =	vmul.f32 v12, v0;
	v6 =	vld [tilespmem:s8+$0x6160];
	[tilespmem:s10+$0xE150] =	vst v13  }
.LBB2_21:
0xf3: {  	p0 =	sne.s32 s6, $0x7E00;
	v11 =	vld [tilespmem:s15+$0x6170];
	v7 =	vadd.f32 v7, v1;
	v5 =	vmul.f32 v5, v0;
	[tilespmem:s10+$0xE160] =	vst v9;
	s10 =	smov.u32 s8;
	s8 =	smov.u32 s15  }
0xf4: {  	v9 =	vld [tilespmem:s8+$0x6100];
	v8 =	vadd.f32 v8, v1;
	v3 =	vmul.f32 v3, v0;
	[tilespmem:s10+$0xE170] =	vst v10  }
0xf5: {  	v10 =	vld [tilespmem:s8+$0x6110];
	[tilespmem:s10+$0xE100] =	vst v7;
	v7 =	vadd.f32 v5, v1;
	v2 =	vmul.f32 v2, v0  }
.Ltmp12:
0xf6: {  	v5 =	vld [tilespmem:s8+$0x6120];
	[tilespmem:s10+$0xE110] =	vst v8;
	v8 =	vadd.f32 v3, v1;
	v4 =	vmul.f32 v4, v0;
	(pc) =	sbr.rel @p0 .LBB2_21-.Ltmp12, $4  }
0xf7: {  	v3 =	vld [tilespmem:s8+$0x6130];
	[tilespmem:s10+$0xE120] =	vst v7;
	v12 =	vadd.f32 v2, v1;
	v6 =	vmul.f32 v6, v0  }
0xf8: {  	v2 =	vld [tilespmem:s8+$0x6140];
	v11 =	vmul.f32 v11, v0;
	[tilespmem:s10+$0xE130] =	vst v8;
	v13 =	vadd.f32 v4, v1  }
0xf9: {  	v7 =	vmul.f32 v9, v0;
	v4 =	vld [tilespmem:s8+$0x6150];
	[tilespmem:s10+$0xE140] =	vst v12;
	v9 =	vadd.f32 v6, v1  }
0xfa: {  	s15 =	sshra.s32 s6, $0x2;
	s6 =	sadd.s32 $0x200, s6;
	v8 =	vmul.f32 v10, v0;
	v6 =	vld [tilespmem:s8+$0x6160];
	v10 =	vadd.f32 v11, v1;
	[tilespmem:s10+$0xE150] =	vst v13  }
0xfb: {  	v11 =	vld [tilespmem:s15+$0x6170];
	[tilespmem:s10+$0xE160] =	vst v9;
	v7 =	vadd.f32 v7, v1;
	v5 =	vmul.f32 v5, v0  }
0xfc: {  	v9 =	vld [tilespmem:s15+$0x6100];
	[tilespmem:s8+$0xE170] =	vst v10;
	v8 =	vadd.f32 v8, v1;
	v3 =	vmul.f32 v3, v0  }
0xfd: {  	v10 =	vld [tilespmem:s15+$0x6110];
	[tilespmem:s8+$0xE100] =	vst v7;
	v5 =	vadd.f32 v5, v1  }
0xfe: {  	v2 =	vmul.f32 v2, v0;
	v7 =	vld [tilespmem:s15+$0x6120];
	[tilespmem:s8+$0xE110] =	vst v8;
	v3 =	vadd.f32 v3, v1  }
0xff: {  	v4 =	vmul.f32 v4, v0;
	v8 =	vld [tilespmem:s15+$0x6130];
	[tilespmem:s8+$0xE120] =	vst v5  }
0x100: {  	v2 =	vadd.f32 v2, v1;
	v5 =	vld [tilespmem:s15+$0x6140];
	[tilespmem:s8+$0xE130] =	vst v3;
	v3 =	vmul.f32 v6, v0  }
0x101: {  	v11 =	vmul.f32 v11, v0;
	v4 =	vadd.f32 v4, v1  }
0x102: {  	v57 =	vld [tilespmem:s15+$0x6150];
	[tilespmem:s8+$0xE140] =	vst v2;
	v2 =	vmul.f32 v9, v0;
	v3 =	vadd.f32 v3, v1  }
0x103: {  	v58 =	vld [tilespmem:s15+$0x6160];
	v10 =	vmul.f32 v10, v0;
	v11 =	vadd.f32 v11, v1;
	[tilespmem:s8+$0xE150] =	vst v4  }
0x104: {  	v2 =	vadd.f32 v2, v1;
	v59 =	vmul.f32 v7, v0;
	[tilespmem:s8+$0xE160] =	vst v3  }
0x105: {  	v3 =	vadd.f32 v10, v1;
	v60 =	vmul.f32 v8, v0;
	[tilespmem:s15+$0xE170] =	vst v11  }
0x106: {  	[tilespmem:s15+$0xE100] =	vst v2;
	v2 =	vadd.f32 v59, v1;
	v61 =	vmul.f32 v5, v0  }
0x107: {  	s7 =	sadd.s32 $0x1, s7;
	[tilespmem:s15+$0xE110] =	vst v3;
	v3 =	vadd.f32 v60, v1;
	v62 =	vmul.f32 v57, v0  }
0x108: {  	p0 =	sne.s32 s7, $0x4;
	[tilespmem:s15+$0xE120] =	vst v2;
	v2 =	vadd.f32 v61, v1;
	v63 =	vmul.f32 v58, v0  }
.Ltmp13:
0x109: {  	[tilespmem:s15+$0xE130] =	vst v3;
	v3 =	vadd.f32 v62, v1;
	(pc) =	sbr.rel @p0 .LBB2_2-.Ltmp13, $4  }
0x10a: {  	[tilespmem:s15+$0xE140] =	vst v2;
	v2 =	vadd.f32 v63, v1  }
0x10b: {  	[tilespmem:s15+$0xE150] =	vst v3  }
0x10c: {  	s6 =	sadd.s32 s3, s9;
	[tilespmem:s15+$0xE160] =	vst v2  }
0x10d: {  	[hbm4b:s6+s4] =	stream.linear.scatter [tilespmem:s2], [sflag:$0x8], $0x2000, $0x38;
	[tilespmem:$0x10100] =	vst v63  }
0x10e: {  	s6 =	simm.s32 $0x5  }
0x10f: {  	_ =	swait.ge [sflag:s6], $0x2000  }
0x110: {  	[sflag:s6] =	ssyncset.done $0x0  }
0x111: {  	[sflag:s6] =	ssyncadd.s32 $0xFFFFE000  }
0x112: {  	_ =	swait.ge [sflag:s25], $0x2000  }
0x113: {  	[sflag:s25] =	ssyncset.done $0x0  }
0x114: {  	[sflag:s25] =	ssyncadd.s32 $0xFFFFE000  }
0x115: {  	_ =	swait.ge [sflag:s29], $0x2000  }
0x116: {  	[sflag:s29] =	ssyncset.done $0x0  }
0x117: {  	[sflag:s29] =	ssyncadd.s32 $0xFFFFE000  }
0x118: {  	_ =	swait.ge [sflag:s0], $0x2000  }
0x119: {  	s7 =	rddreg [dreg:$0xa]  }
0x11a: {  	s17 =	rddreg [dreg:$0x9];
	s7 =	sadd.s32 $0x1, s7  }
0x11b: {  	p0 =	sne.s32 s7, s17  }
.Ltmp14:
0x11c: {  	_ = 	snop;
	(pc) =	sbr.rel @p0 .LBB2_1-.Ltmp14, $3  }
0x11d: {  	_ =	sdelay $0x1  }
0x11e: {  	[sflag:s0] =	ssyncset.done $0x0  }
0x11f: {  	[sflag:s0] =	ssyncadd.s32 $0xFFFFE000  }
0x120: {  	_ =	sfence.sel $0x180000  }
0x121: {  	[bflag:$0x0] =	sbarrier.arrive $0xFFFF  }
0x122: {  	_ =	strace $0x90000047  }
0x123: {  	s0 =	stileid.u32;
	[bflag:$0x2] =	sbarrier.arrive $0xFFFF  }
0x124: {  	p0 =	sne.s32 s0, $0x0;
	s0 =	rddreg [dreg:$0x3]  }
0x125: {  	s0 =	sadd.s32 @!p0 $0x100000, s0  }
0x126: {  	[sflag:s0] =	ssyncadd.tile.s32 @!p0 $0x1;
	_ =	shalt  }
.Lfunc_end2:
_tile_overlayer_lowered:
.L_overlay_start_2:
0x127: {  	(tag) =	ssettag $0x2  }
0x128: {  	s0 =	rddreg [dreg:$0x0];
	s2 =	stileid.u32  }
0x129: {  	s1 =	rddreg [dreg:$0x1];
	p0 =	sne.s32 s2, $0x0  }
0x12a: {  	s3 =	rddreg [dreg:$0x2];
	[bflag:$0x3] =	sbarrier.arrive $0xFFFF;
	s2 =	simm.s32 @!p0 $0x1C09  }
0x12b: {  	[timem:s3], [sflag:s2] =	dma.local @!p0 [hbm:s0], s1  }
0x12c: {  	s0 =	simm.s32 @!p0 $0x9  }
0x12d: {  	_ =	swait.ge @!p0 [sflag:s0], s1  }
0x12e: {  	s1 =	ssub.s32 @!p0 $0x0, s1;
	[sflag:s0] =	ssyncset.done @!p0 $0x0  }
0x12f: {  	[sflag:s0] =	ssyncadd.s32 @!p0 s1  }
0x130: {  	[bflag:$0x3] =	sbarrier.arrive $0xFFFF  }
0x131: {  	_ =	shalt  }

</sc_bundles>
